<compile_context>
chip_gen: v7x
topology: tpu7x:2x2x1
jax: 0.10.2.dev20260603
libtpu: 0.0.44.dev20260713+nightly
codegen_flags: <defaults>
</compile_context>

<pallas_src>
import functools

import jax
import jax.numpy as jnp
import numpy as np
from jax.experimental import pallas as pl
from jax.experimental.pallas import tpu as pltpu
from jax.experimental.pallas import tpu_sc as plsc

N, L, H, E = 1, 2048, 12, 64
C, ITER, BITS, TOPK = 128, 10, 32, 32
QT = 256
NEG_INF = np.float32(-np.inf)


def _dot(a, b, ca, cb):
    return jax.lax.dot_general(
        a, b, (((ca,), (cb,)), ((), ())),
        precision=jax.lax.Precision.HIGHEST,
        preferred_element_type=jnp.float32)


def _dotb(a, b, ca, cb):
    return jax.lax.dot_general(
        a.astype(jnp.bfloat16), b.astype(jnp.bfloat16),
        (((ca,), (cb,)), ((), ())),
        preferred_element_type=jnp.float32)


def _head_kernel(q_ref, k_ref, v_ref, pe_ref, pb_ref, init_ref,
                 out_ref, tab_ref, asn_ref):
    q = q_ref[0]
    k = k_ref[0]
    v = v_ref[0]
    pe = pe_ref[...]
    pb = pb_ref[...]
    init_row = init_ref[...]
    temp = np.float32(1.0 / np.sqrt(E))

    proj = _dotb(q, pe, 1, 1) + pb
    hbits = (proj > 0).astype(jnp.float32)

    iota_l = jax.lax.broadcasted_iota(jnp.int32, (L, C), 0)
    sel_T = (iota_l == init_row).astype(jnp.float32)
    cent = _dotb(sel_T, hbits, 0, 0)

    iota_c0 = jax.lax.broadcasted_iota(jnp.int32, (C, L), 0)
    iota_cf = iota_c0.astype(jnp.float32)
    assign_row = jnp.zeros((1, L), jnp.int32)
    onehot_T = jnp.zeros((C, L), jnp.float32)
    counts = jnp.zeros((C, 1), jnp.float32)
    for _ in range(ITER):
        csum = jnp.sum(cent, axis=1, keepdims=True)
        bias = csum * 2048.0 + (65536.0 + iota_cf)
        key = bias - 4096.0 * _dotb(cent, hbits, 1, 1)
        kmin = jnp.min(key, axis=0, keepdims=True)
        assign_row = jnp.bitwise_and(kmin.astype(jnp.int32), 2047)
        onehot_T = (iota_c0 == assign_row).astype(jnp.float32)
        counts = jnp.sum(onehot_T, axis=1, keepdims=True)
        sums = _dotb(onehot_T, hbits, 1, 0)
        new_cent = (sums / jnp.maximum(counts, 1.0) > 0.5).astype(jnp.float32)
        cent = jnp.where(counts > 0, new_cent, cent)

    q_grouped = _dotb(onehot_T, q, 1, 0) / jnp.maximum(counts, 1.0)
    qk = _dotb(temp * q_grouped, k, 1, 1)

    iota_s = jax.lax.broadcasted_iota(jnp.int32, (C, L), 1)
    u = jax.lax.bitcast_convert_type(qk, jnp.int32)
    skey = jnp.where(u < 0, u ^ jnp.int32(0x7FFFFFFF), u)
    lo = jnp.full((C, 1), jnp.iinfo(jnp.int32).min, jnp.int32)
    hi = jnp.full((C, 1), jnp.iinfo(jnp.int32).max, jnp.int32)
    for _ in range(32):
        mid = (lo & hi) + ((lo ^ hi) >> 1)
        cnt = jnp.sum((skey > mid).astype(jnp.int32), axis=1, keepdims=True)
        pred = cnt >= TOPK
        lo = jnp.where(pred, mid, lo)
        hi = jnp.where(pred, hi, mid)
    ge = skey > lo
    strict = skey > lo + 1
    topmask = strict.astype(jnp.float32)
    eq0 = jnp.where(ge, 1.0, 0.0) - topmask
    m0 = jnp.sum(topmask, axis=1, keepdims=True).astype(jnp.int32)
    need0 = jnp.where(counts > 0, TOPK - m0, 0)

    def _tie_cond(state):
        _, _, need = state
        return jnp.any(need > 0)

    def _tie_body(state):
        tm, eq, need = state
        first = jnp.min(jnp.where(eq > 0, iota_s, L), axis=1, keepdims=True)
        hit = jnp.logical_and(iota_s == first, need > 0)
        tm = jnp.where(hit, 1.0, tm)
        eq = jnp.where(hit, 0.0, eq)
        need = need - (need > 0).astype(jnp.int32)
        return tm, eq, need

    topmask, _, _ = jax.lax.while_loop(
        _tie_cond, _tie_body, (topmask, eq0, need0))

    e_full = jnp.exp(qk)
    z = jnp.sum(e_full, axis=1, keepdims=True)
    e_b = e_full * (1.0 - topmask)
    a_bottomk = jnp.sum(e_b, axis=1, keepdims=True) / z
    v_bottom_c = _dotb(e_b, v, 1, 0) / z

    tab_ref[0] = jnp.concatenate(
        [v_bottom_c, jnp.broadcast_to(a_bottomk, (C, 16)),
         jnp.zeros((C, 128 - E - 16), jnp.float32)], axis=1)
    asn_ref[0] = assign_row + pl.program_id(0) * C

    qs = temp * q
    for t in range(L // QT):
        sl = slice(t * QT, (t + 1) * QT)
        oh_t = onehot_T[:, sl]
        mask_t = _dotb(oh_t, topmask, 0, 0)
        s_t = _dotb(qs[sl, :], k, 1, 1)
        e_t = jnp.exp(jnp.where(mask_t > 0, s_t, NEG_INF))
        zinv_t = 1.0 / jnp.sum(e_t, axis=1, keepdims=True)
        out_ref[0, sl, :] = _dotb(e_t, v, 1, 0) * zinv_t


def _make_sc_combine(rows, e):
    info = plsc.get_sparse_core_info()
    nw = info.num_cores * info.num_subcores
    nsub = 2
    chunk = rows // (nw * nsub)
    mesh = plsc.VectorSubcoreMesh(core_axis_name="c", subcore_axis_name="s")

    @functools.partial(
        pl.kernel, mesh=mesh,
        out_type=jax.ShapeDtypeStruct((rows, e), jnp.float32),
        scratch_types=[
            pltpu.VMEM((chunk,), jnp.int32),
            pltpu.VMEM((chunk, 128), jnp.float32),
            pltpu.VMEM((chunk, e), jnp.float32),
            pltpu.SemaphoreType.DMA,
        ],
    )
    def sc_combine(vtop_hbm, tab_hbm, asn_hbm, out_hbm,
                   idx_v, rows_v, vtop_v, sem):
        wid = jax.lax.axis_index("s") * info.num_cores + jax.lax.axis_index("c")

        for s in range(nsub):
            base = (wid * nsub + s) * chunk
            pltpu.sync_copy(asn_hbm.at[pl.ds(base, chunk)], idx_v)
            pltpu.async_copy(tab_hbm.at[idx_v], rows_v, sem).wait()
            pltpu.sync_copy(vtop_hbm.at[pl.ds(base, chunk)], vtop_v)

            def row(r, carry):
                w = 1.0 - rows_v[r, pl.ds(e, 16)]
                for j in range(e // 16):
                    vtop_v[r, pl.ds(j * 16, 16)] = (
                        rows_v[r, pl.ds(j * 16, 16)]
                        + w * vtop_v[r, pl.ds(j * 16, 16)])
                return carry

            jax.lax.fori_loop(0, chunk, row, 0)
            pltpu.sync_copy(vtop_v, out_hbm.at[pl.ds(base, chunk)])

    return sc_combine


def kernel(queries, keys, values, planes):
    n, l, h, e = queries.shape
    q = jnp.transpose(queries, (0, 2, 1, 3)).reshape(h, l, e)
    k = jnp.transpose(keys, (0, 2, 1, 3)).reshape(h, l, e)
    v = jnp.transpose(values, (0, 2, 1, 3)).reshape(h, l, e)
    pe = planes[:, :e]
    pb = planes[:, e].reshape(1, BITS)
    init_idx = jnp.linspace(0, l - 1, C).astype(jnp.int32).reshape(1, C)

    hspec = pl.BlockSpec((1, l, e), lambda i: (i, 0, 0))
    full = lambda s: pl.BlockSpec(s, lambda i: tuple(0 for _ in s))
    vtop, tab, asn = pl.pallas_call(
        _head_kernel,
        grid=(h,),
        in_specs=[hspec, hspec, hspec,
                  full((BITS, e)), full((1, BITS)), full((1, C))],
        out_specs=[hspec,
                   pl.BlockSpec((1, C, 128), lambda i: (i, 0, 0)),
                   pl.BlockSpec((1, 1, l), lambda i: (i, 0, 0))],
        out_shape=[jax.ShapeDtypeStruct((h, l, e), jnp.float32),
                   jax.ShapeDtypeStruct((h, C, 128), jnp.float32),
                   jax.ShapeDtypeStruct((h, 1, l), jnp.int32)],
        compiler_params=pltpu.CompilerParams(
            dimension_semantics=("parallel",)),
    )(q, k, v, pe, pb, init_idx)

    sc_combine = _make_sc_combine(h * l, e)
    out = sc_combine(vtop.reshape(h * l, e),
                     tab.reshape(h * C, 128),
                     asn.reshape(h * l))
    return jnp.transpose(out.reshape(n, h, l, e), (0, 2, 1, 3))

# --- scband reference (transcript-rebuilt; emitter-appended) ---
"""Pipeline reference for scband-improved-clustered-attention-73443940761952 (READ-ONLY COPY).

The authoritative reference and input builder live on the scoring server;
editing this copy changes nothing except your own understanding.
"""

import jax, jax.numpy as jnp
import numpy as np

N, L, H, E = 1, 2048, 12, 64
C, ITER, BITS, TOPK = 128, 10, 32, 32


def setup_inputs(seed: int = 0):
    key = jax.random.key(seed)
    k1, k2, k3, k4 = jax.random.split(key, 4)
    queries = jax.random.normal(k1, (N, L, H, E), jnp.float32)
    keys = jax.random.normal(k2, (N, L, H, E), jnp.float32)
    values = jax.random.normal(k3, (N, L, H, E), jnp.float32)
    planes = jax.random.normal(k4, (BITS, E + 1), jnp.float32)
    return {"queries": queries, "keys": keys, "values": values, "planes": planes}


def _cluster(hbits):
    # Lloyd iterations (k-means) in Hamming space on binary hash codes.
    n, h, l, b = hbits.shape
    init_idx = jnp.linspace(0, l - 1, C).astype(jnp.int32)
    cent = hbits[:, :, init_idx, :]
    assign = jnp.zeros((n, h, l), jnp.int32)
    counts = jnp.zeros((n, h, C), jnp.float32)
    for _ in range(ITER):
        # hamming dist for binary vectors: |x| + |c| - 2 x.c
        d = (hbits.sum(-1)[..., None] + cent.sum(-1)[:, :, None, :]
             - 2.0 * jnp.einsum('nhlb,nhcb->nhlc', hbits, cent))
        assign = jnp.argmin(d, axis=-1).astype(jnp.int32)
        onehot = jax.nn.one_hot(assign, C, dtype=jnp.float32)
        counts = onehot.sum(2)
        sums = jnp.einsum('nhlc,nhlb->nhcb', onehot, hbits)
        new_cent = (sums / jnp.maximum(counts[..., None], 1.0) > 0.5).astype(jnp.float32)
        cent = jnp.where(counts[..., None] > 0, new_cent, cent)
    return assign, counts


def reference(queries, keys, values, planes):
    q = jnp.transpose(queries, (0, 2, 1, 3))
    k = jnp.transpose(keys, (0, 2, 1, 3))
    v = jnp.transpose(values, (0, 2, 1, 3))
    n, h, l, e = q.shape
    s = k.shape[2]
    d_v = v.shape[3]
    temp = 1.0 / np.sqrt(e)
    # hash queries with random hyperplanes (with bias term)
    proj = jnp.einsum('nhle,be->nhlb', q, planes[:, :e]) + planes[:, e]
    hbits = jax.lax.stop_gradient((proj > 0).astype(jnp.float32))
    assign, counts = _cluster(hbits)
    # sort queries by cluster id (stable)
    sorted_idx = jnp.argsort(assign, axis=-1)
    sorted_clusters = jnp.take_along_axis(assign, sorted_idx, axis=-1)
    s_q = jnp.take_along_axis(q, sorted_idx[..., None], axis=2)
    # group queries: centroid (mean) per cluster
    onehot = jax.nn.one_hot(assign, C, dtype=jnp.float32)
    q_sums = jnp.einsum('nhlc,nhle->nhce', onehot, q)
    Q_grouped = q_sums / jnp.maximum(counts[..., None], 1.0)
    QK = jnp.einsum('nhce,nhse->nhcs', Q_grouped, k)
    topk_values, topk = jax.lax.top_k(QK, TOPK)
    # ---- bottom-k attention (per cluster) ----
    A = jax.nn.softmax(temp * QK, axis=-1)
    m = n * h * C
    mask = jnp.ones((m, s), jnp.float32).at[
        jnp.arange(m)[:, None], topk.reshape(m, TOPK)].set(0.0).reshape(n, h, C, s)
    A_b = A * mask
    A_bottomk = A_b.sum(-1)
    V_bottom_c = jnp.einsum('nhcs,nhsd->nhcd', A_b, v)
    V_bottom = jnp.take_along_axis(V_bottom_c, sorted_clusters[..., None], axis=2)
    A_b_q = jnp.take_along_axis(A_bottomk, sorted_clusters, axis=2)
    # ---- top-k attention (each query with its cluster's top-k keys) ----
    topk_q = jnp.take_along_axis(topk, sorted_clusters[..., None], axis=2)  # [n,h,l,k]
    idx = topk_q.reshape(n, h, l * TOPK)
    K_g = jnp.take_along_axis(k, idx[..., None], axis=2).reshape(n, h, l, TOPK, e)
    V_g = jnp.take_along_axis(v, idx[..., None], axis=2).reshape(n, h, l, TOPK, d_v)
    QK_t = jnp.einsum('nhle,nhlke->nhlk', s_q, K_g)
    inf_mask = jnp.isinf(topk_values[:, 0, 0, :])[:, None, None, :]
    QK_t = jnp.where(inf_mask, -jnp.inf, QK_t)
    A_t = jax.nn.softmax(temp * QK_t, axis=-1)
    A_t = A_t * (1.0 - A_b_q)[..., None]
    V_top = jnp.einsum('nhlk,nhlkd->nhld', A_t, V_g)
    # combine and unsort
    V_sorted = V_top + V_bottom
    rev = jnp.argsort(sorted_idx, axis=-1)
    V_new = jnp.take_along_axis(V_sorted, rev[..., None], axis=2)
    return jnp.transpose(V_new, (0, 2, 1, 3))

if __name__ == "__main__":
    import jax
    _d = setup_inputs()
    print(jax.jit(kernel)(*tuple(_d.values())))

</pallas_src>

<mosaic_0001>
#map = affine_map<(d0, d1) -> (0, 0)>
#map1 = affine_map<(d0, d1) -> (0)>
module attributes {stable_mosaic.version = 14 : i64} {
  func.func @sc_combine(%arg0: i32, %arg1: i32, %arg2: memref<24576x64xf32, #tpu.memory_space<hbm>>, %arg3: memref<1536x128xf32, #tpu.memory_space<hbm>>, %arg4: memref<24576xi32, #tpu.memory_space<hbm>>, %arg5: memref<24576x64xf32, #tpu.memory_space<hbm>>, %arg6: memref<384xi32, #tpu.memory_space<vmem>>, %arg7: memref<384x128xf32, #tpu.memory_space<vmem>>, %arg8: memref<384x64xf32, #tpu.memory_space<vmem>>, %arg9: memref<!tpu.dma_semaphore, #tpu.memory_space<semaphore_mem>>) attributes {dimension_semantics = [#tpu.dimension_semantics<core_parallel>, #tpu.dimension_semantics<subcore_parallel>], iteration_bounds = array<i64: 2, 16>, scalar_prefetch = 0 : i64, scratch_operands = 4 : i64, tpu.core_type = #tpu.core_type<sc_vector_subcore>, window_params = [{transform_indices = #map}, {transform_indices = #map}, {transform_indices = #map1}, {transform_indices = #map}]} {
    %mul3A = arith.constant 2 : i32
    %mul3A_0 = arith.muli %arg1, %mul3A : i32
    %add3A = arith.addi %mul3A_0, %arg0 : i32
    %mul3A_1 = arith.constant 2 : i32
    %mul3A_2 = arith.muli %add3A, %mul3A_1 : i32
    %add3A_3 = arith.constant 0 : i32
    %add3A_4 = arith.addi %mul3A_2, %add3A_3 : i32
    %mul3A_5 = arith.constant 384 : i32
    %mul3A_6 = arith.muli %add3A_4, %mul3A_5 : i32
    "tpu.region"() ({
      %run_scoped3A = tpu.sem_alloc : memref<!tpu.dma_semaphore, #tpu.memory_space<semaphore_mem>>
      %dma_start3A_34 = tpu.memref_slice %arg4[%mul3A_6] : memref<24576xi32, #tpu.memory_space<hbm>> -> memref<384xi32, #tpu.memory_space<hbm>>
      %dma_start3A_35 = tpu.memref_slice %arg4[%mul3A_6] : memref<24576xi32, #tpu.memory_space<hbm>> -> memref<384xi32, #tpu.memory_space<hbm>>
      tpu.enqueue_dma source(%dma_start3A_35 : memref<384xi32, #tpu.memory_space<hbm>>) target(%arg6 : memref<384xi32, #tpu.memory_space<vmem>>) target_semaphore(%run_scoped3A : memref<!tpu.dma_semaphore, #tpu.memory_space<semaphore_mem>>)
      %dma_wait3A_36 = tpu.memref_slice %arg4[%mul3A_6] : memref<24576xi32, #tpu.memory_space<hbm>> -> memref<384xi32, #tpu.memory_space<hbm>>
      %dma_wait3A_37 = tpu.memref_slice %arg4[%mul3A_6] : memref<24576xi32, #tpu.memory_space<hbm>> -> memref<384xi32, #tpu.memory_space<hbm>>
      tpu.wait_dma2 semaphore(%run_scoped3A : memref<!tpu.dma_semaphore, #tpu.memory_space<semaphore_mem>>) src(%dma_wait3A_37 : memref<384xi32, #tpu.memory_space<hbm>>) dst(%arg6 : memref<384xi32, #tpu.memory_space<vmem>>)
      tpu.yield
    }) : () -> ()
    %dma_start3A = arith.constant 0 : i32
    %dma_start3A_7 = arith.constant 0 : i32
    %dma_start3A_8 = tpu.memref_slice %arg3[%dma_start3A, %dma_start3A_7] : memref<1536x128xf32, #tpu.memory_space<hbm>> -> memref<1536x128xf32, #tpu.memory_space<hbm>>
    tpu.enqueue_indirect_dma source(%dma_start3A_8 : memref<1536x128xf32, #tpu.memory_space<hbm>>) target(%arg7 : memref<384x128xf32, #tpu.memory_space<vmem>>) offsets(%arg6 : memref<384xi32, #tpu.memory_space<vmem>>) semaphore(%arg9 : memref<!tpu.dma_semaphore, #tpu.memory_space<semaphore_mem>>)
    %dma_wait3A = arith.constant 0 : i32
    %dma_wait3A_9 = arith.constant 0 : i32
    %dma_wait3A_10 = tpu.memref_slice %arg3[%dma_wait3A, %dma_wait3A_9] : memref<1536x128xf32, #tpu.memory_space<hbm>> -> memref<1536x128xf32, #tpu.memory_space<hbm>>
    tpu.wait_indirect_dma semaphore(%arg9 : memref<!tpu.dma_semaphore, #tpu.memory_space<semaphore_mem>>) src(%dma_wait3A_10 : memref<1536x128xf32, #tpu.memory_space<hbm>>) dst(%arg7 : memref<384x128xf32, #tpu.memory_space<vmem>>)
    "tpu.region"() ({
      %run_scoped3A = tpu.sem_alloc : memref<!tpu.dma_semaphore, #tpu.memory_space<semaphore_mem>>
      %dma_start3A_34 = arith.constant 0 : i32
      %dma_start3A_35 = tpu.memref_slice %arg2[%mul3A_6, %dma_start3A_34] : memref<24576x64xf32, #tpu.memory_space<hbm>> -> memref<384x64xf32, #tpu.memory_space<hbm>>
      %dma_start3A_36 = arith.constant 0 : i32
      %dma_start3A_37 = tpu.memref_slice %arg2[%mul3A_6, %dma_start3A_36] : memref<24576x64xf32, #tpu.memory_space<hbm>> -> memref<384x64xf32, #tpu.memory_space<hbm>>
      tpu.enqueue_dma source(%dma_start3A_37 : memref<384x64xf32, #tpu.memory_space<hbm>>) target(%arg8 : memref<384x64xf32, #tpu.memory_space<vmem>>) target_semaphore(%run_scoped3A : memref<!tpu.dma_semaphore, #tpu.memory_space<semaphore_mem>>)
      %dma_wait3A_38 = arith.constant 0 : i32
      %dma_wait3A_39 = tpu.memref_slice %arg2[%mul3A_6, %dma_wait3A_38] : memref<24576x64xf32, #tpu.memory_space<hbm>> -> memref<384x64xf32, #tpu.memory_space<hbm>>
      %dma_wait3A_40 = arith.constant 0 : i32
      %dma_wait3A_41 = tpu.memref_slice %arg2[%mul3A_6, %dma_wait3A_40] : memref<24576x64xf32, #tpu.memory_space<hbm>> -> memref<384x64xf32, #tpu.memory_space<hbm>>
      tpu.wait_dma2 semaphore(%run_scoped3A : memref<!tpu.dma_semaphore, #tpu.memory_space<semaphore_mem>>) src(%dma_wait3A_41 : memref<384x64xf32, #tpu.memory_space<hbm>>) dst(%arg8 : memref<384x64xf32, #tpu.memory_space<vmem>>)
      tpu.yield
    }) : () -> ()
    %scan3A = arith.constant 0 : i32
    %scan3A_11 = arith.constant 0 : i32
    %scan3A_12 = arith.constant 384 : i32
    %scan3A_13 = arith.addi %scan3A_11, %scan3A_12 : i32
    %scan3A_14 = arith.constant 1 : i32
    scf.for %scan3A_34 = %scan3A_11 to %scan3A_13 step %scan3A_14  : i32 {
      %get3A = arith.index_cast %scan3A_34 : i32 to index
      %get3A_35 = arith.constant 64 : index
      %get3A_36 = tpu.vector_load %arg7[%get3A, %get3A_35] {strides = array<i32>} : memref<384x128xf32, #tpu.memory_space<vmem>>, vector<1x16xf32>,
      %get3A_37 = vector.shape_cast %get3A_36 : vector<1x16xf32> to vector<16xf32>
      %sub3A = arith.constant 1.000000e+00 : f32
      %sub3A_38 = vector.broadcast %sub3A : f32 to vector<16xf32>
      %sub3A_39 = arith.subf %sub3A_38, %get3A_37 : vector<16xf32>
      %get3A_40 = arith.index_cast %scan3A_34 : i32 to index
      %get3A_41 = arith.constant 0 : index
      %get3A_42 = tpu.vector_load %arg7[%get3A_40, %get3A_41] {strides = array<i32>} : memref<384x128xf32, #tpu.memory_space<vmem>>, vector<1x16xf32>,
      %get3A_43 = vector.shape_cast %get3A_42 : vector<1x16xf32> to vector<16xf32>
      %get3A_44 = arith.index_cast %scan3A_34 : i32 to index
      %get3A_45 = arith.constant 0 : index
      %get3A_46 = tpu.vector_load %arg8[%get3A_44, %get3A_45] {strides = array<i32>} : memref<384x64xf32, #tpu.memory_space<vmem>>, vector<1x16xf32>,
      %get3A_47 = vector.shape_cast %get3A_46 : vector<1x16xf32> to vector<16xf32>
      %mul3A_48 = arith.mulf %sub3A_39, %get3A_47 : vector<16xf32>
      %add3A_49 = arith.addf %get3A_43, %mul3A_48 : vector<16xf32>
      %swap3A = arith.index_cast %scan3A_34 : i32 to index
      %swap3A_50 = arith.constant 0 : index
      %swap3A_51 = tpu.vector_load %arg8[%swap3A, %swap3A_50] {strides = array<i32>} : memref<384x64xf32, #tpu.memory_space<vmem>>, vector<1x16xf32>,
      %swap3A_52 = vector.shape_cast %swap3A_51 : vector<1x16xf32> to vector<16xf32>
      %swap3A_53 = vector.shape_cast %add3A_49 : vector<16xf32> to vector<1x16xf32>
      tpu.vector_store %arg8[%swap3A, %swap3A_50], %swap3A_53 {strides = array<i32>} : memref<384x64xf32, #tpu.memory_space<vmem>>, vector<1x16xf32>,
      %get3A_54 = arith.index_cast %scan3A_34 : i32 to index
      %get3A_55 = arith.constant 16 : index
      %get3A_56 = tpu.vector_load %arg7[%get3A_54, %get3A_55] {strides = array<i32>} : memref<384x128xf32, #tpu.memory_space<vmem>>, vector<1x16xf32>,
      %get3A_57 = vector.shape_cast %get3A_56 : vector<1x16xf32> to vector<16xf32>
      %get3A_58 = arith.index_cast %scan3A_34 : i32 to index
      %get3A_59 = arith.constant 16 : index
      %get3A_60 = tpu.vector_load %arg8[%get3A_58, %get3A_59] {strides = array<i32>} : memref<384x64xf32, #tpu.memory_space<vmem>>, vector<1x16xf32>,
      %get3A_61 = vector.shape_cast %get3A_60 : vector<1x16xf32> to vector<16xf32>
      %mul3A_62 = arith.mulf %sub3A_39, %get3A_61 : vector<16xf32>
      %add3A_63 = arith.addf %get3A_57, %mul3A_62 : vector<16xf32>
      %swap3A_64 = arith.index_cast %scan3A_34 : i32 to index
      %swap3A_65 = arith.constant 16 : index
      %swap3A_66 = tpu.vector_load %arg8[%swap3A_64, %swap3A_65] {strides = array<i32>} : memref<384x64xf32, #tpu.memory_space<vmem>>, vector<1x16xf32>,
      %swap3A_67 = vector.shape_cast %swap3A_66 : vector<1x16xf32> to vector<16xf32>
      %swap3A_68 = vector.shape_cast %add3A_63 : vector<16xf32> to vector<1x16xf32>
      tpu.vector_store %arg8[%swap3A_64, %swap3A_65], %swap3A_68 {strides = array<i32>} : memref<384x64xf32, #tpu.memory_space<vmem>>, vector<1x16xf32>,
      %get3A_69 = arith.index_cast %scan3A_34 : i32 to index
      %get3A_70 = arith.constant 32 : index
      %get3A_71 = tpu.vector_load %arg7[%get3A_69, %get3A_70] {strides = array<i32>} : memref<384x128xf32, #tpu.memory_space<vmem>>, vector<1x16xf32>,
      %get3A_72 = vector.shape_cast %get3A_71 : vector<1x16xf32> to vector<16xf32>
      %get3A_73 = arith.index_cast %scan3A_34 : i32 to index
      %get3A_74 = arith.constant 32 : index
      %get3A_75 = tpu.vector_load %arg8[%get3A_73, %get3A_74] {strides = array<i32>} : memref<384x64xf32, #tpu.memory_space<vmem>>, vector<1x16xf32>,
      %get3A_76 = vector.shape_cast %get3A_75 : vector<1x16xf32> to vector<16xf32>
      %mul3A_77 = arith.mulf %sub3A_39, %get3A_76 : vector<16xf32>
      %add3A_78 = arith.addf %get3A_72, %mul3A_77 : vector<16xf32>
      %swap3A_79 = arith.index_cast %scan3A_34 : i32 to index
      %swap3A_80 = arith.constant 32 : index
      %swap3A_81 = tpu.vector_load %arg8[%swap3A_79, %swap3A_80] {strides = array<i32>} : memref<384x64xf32, #tpu.memory_space<vmem>>, vector<1x16xf32>,
      %swap3A_82 = vector.shape_cast %swap3A_81 : vector<1x16xf32> to vector<16xf32>
      %swap3A_83 = vector.shape_cast %add3A_78 : vector<16xf32> to vector<1x16xf32>
      tpu.vector_store %arg8[%swap3A_79, %swap3A_80], %swap3A_83 {strides = array<i32>} : memref<384x64xf32, #tpu.memory_space<vmem>>, vector<1x16xf32>,
      %get3A_84 = arith.index_cast %scan3A_34 : i32 to index
      %get3A_85 = arith.constant 48 : index
      %get3A_86 = tpu.vector_load %arg7[%get3A_84, %get3A_85] {strides = array<i32>} : memref<384x128xf32, #tpu.memory_space<vmem>>, vector<1x16xf32>,
      %get3A_87 = vector.shape_cast %get3A_86 : vector<1x16xf32> to vector<16xf32>
      %get3A_88 = arith.index_cast %scan3A_34 : i32 to index
      %get3A_89 = arith.constant 48 : index
      %get3A_90 = tpu.vector_load %arg8[%get3A_88, %get3A_89] {strides = array<i32>} : memref<384x64xf32, #tpu.memory_space<vmem>>, vector<1x16xf32>,
      %get3A_91 = vector.shape_cast %get3A_90 : vector<1x16xf32> to vector<16xf32>
      %mul3A_92 = arith.mulf %sub3A_39, %get3A_91 : vector<16xf32>
      %add3A_93 = arith.addf %get3A_87, %mul3A_92 : vector<16xf32>
      %swap3A_94 = arith.index_cast %scan3A_34 : i32 to index
      %swap3A_95 = arith.constant 48 : index
      %swap3A_96 = tpu.vector_load %arg8[%swap3A_94, %swap3A_95] {strides = array<i32>} : memref<384x64xf32, #tpu.memory_space<vmem>>, vector<1x16xf32>,
      %swap3A_97 = vector.shape_cast %swap3A_96 : vector<1x16xf32> to vector<16xf32>
      %swap3A_98 = vector.shape_cast %add3A_93 : vector<16xf32> to vector<1x16xf32>
      tpu.vector_store %arg8[%swap3A_94, %swap3A_95], %swap3A_98 {strides = array<i32>} : memref<384x64xf32, #tpu.memory_space<vmem>>, vector<1x16xf32>,
    }
    %scan3A_15 = arith.constant 384 : i32
    "tpu.region"() ({
      %run_scoped3A = tpu.sem_alloc : memref<!tpu.dma_semaphore, #tpu.memory_space<semaphore_mem>>
      %dma_start3A_34 = arith.constant 0 : i32
      %dma_start3A_35 = tpu.memref_slice %arg5[%mul3A_6, %dma_start3A_34] : memref<24576x64xf32, #tpu.memory_space<hbm>> -> memref<384x64xf32, #tpu.memory_space<hbm>>
      %dma_start3A_36 = arith.constant 0 : i32
      %dma_start3A_37 = tpu.memref_slice %arg5[%mul3A_6, %dma_start3A_36] : memref<24576x64xf32, #tpu.memory_space<hbm>> -> memref<384x64xf32, #tpu.memory_space<hbm>>
      tpu.enqueue_dma source(%arg8 : memref<384x64xf32, #tpu.memory_space<vmem>>) target(%dma_start3A_37 : memref<384x64xf32, #tpu.memory_space<hbm>>) target_semaphore(%run_scoped3A : memref<!tpu.dma_semaphore, #tpu.memory_space<semaphore_mem>>)
      %dma_wait3A_38 = arith.constant 0 : i32
      %dma_wait3A_39 = tpu.memref_slice %arg5[%mul3A_6, %dma_wait3A_38] : memref<24576x64xf32, #tpu.memory_space<hbm>> -> memref<384x64xf32, #tpu.memory_space<hbm>>
      %dma_wait3A_40 = arith.constant 0 : i32
      %dma_wait3A_41 = tpu.memref_slice %arg5[%mul3A_6, %dma_wait3A_40] : memref<24576x64xf32, #tpu.memory_space<hbm>> -> memref<384x64xf32, #tpu.memory_space<hbm>>
      tpu.wait_dma2 semaphore(%run_scoped3A : memref<!tpu.dma_semaphore, #tpu.memory_space<semaphore_mem>>) src(%arg8 : memref<384x64xf32, #tpu.memory_space<vmem>>) dst(%dma_wait3A_41 : memref<384x64xf32, #tpu.memory_space<hbm>>)
      tpu.yield
    }) : () -> ()
    %mul3A_16 = arith.constant 2 : i32
    %mul3A_17 = arith.muli %add3A, %mul3A_16 : i32
    %add3A_18 = arith.constant 1 : i32
    %add3A_19 = arith.addi %mul3A_17, %add3A_18 : i32
    %mul3A_20 = arith.constant 384 : i32
    %mul3A_21 = arith.muli %add3A_19, %mul3A_20 : i32
    "tpu.region"() ({
      %run_scoped3A = tpu.sem_alloc : memref<!tpu.dma_semaphore, #tpu.memory_space<semaphore_mem>>
      %dma_start3A_34 = tpu.memref_slice %arg4[%mul3A_21] : memref<24576xi32, #tpu.memory_space<hbm>> -> memref<384xi32, #tpu.memory_space<hbm>>
      %dma_start3A_35 = tpu.memref_slice %arg4[%mul3A_21] : memref<24576xi32, #tpu.memory_space<hbm>> -> memref<384xi32, #tpu.memory_space<hbm>>
      tpu.enqueue_dma source(%dma_start3A_35 : memref<384xi32, #tpu.memory_space<hbm>>) target(%arg6 : memref<384xi32, #tpu.memory_space<vmem>>) target_semaphore(%run_scoped3A : memref<!tpu.dma_semaphore, #tpu.memory_space<semaphore_mem>>)
      %dma_wait3A_36 = tpu.memref_slice %arg4[%mul3A_21] : memref<24576xi32, #tpu.memory_space<hbm>> -> memref<384xi32, #tpu.memory_space<hbm>>
      %dma_wait3A_37 = tpu.memref_slice %arg4[%mul3A_21] : memref<24576xi32, #tpu.memory_space<hbm>> -> memref<384xi32, #tpu.memory_space<hbm>>
      tpu.wait_dma2 semaphore(%run_scoped3A : memref<!tpu.dma_semaphore, #tpu.memory_space<semaphore_mem>>) src(%dma_wait3A_37 : memref<384xi32, #tpu.memory_space<hbm>>) dst(%arg6 : memref<384xi32, #tpu.memory_space<vmem>>)
      tpu.yield
    }) : () -> ()
    %dma_start3A_22 = arith.constant 0 : i32
    %dma_start3A_23 = arith.constant 0 : i32
    %dma_start3A_24 = tpu.memref_slice %arg3[%dma_start3A_22, %dma_start3A_23] : memref<1536x128xf32, #tpu.memory_space<hbm>> -> memref<1536x128xf32, #tpu.memory_space<hbm>>
    tpu.enqueue_indirect_dma source(%dma_start3A_24 : memref<1536x128xf32, #tpu.memory_space<hbm>>) target(%arg7 : memref<384x128xf32, #tpu.memory_space<vmem>>) offsets(%arg6 : memref<384xi32, #tpu.memory_space<vmem>>) semaphore(%arg9 : memref<!tpu.dma_semaphore, #tpu.memory_space<semaphore_mem>>)
    %dma_wait3A_25 = arith.constant 0 : i32
    %dma_wait3A_26 = arith.constant 0 : i32
    %dma_wait3A_27 = tpu.memref_slice %arg3[%dma_wait3A_25, %dma_wait3A_26] : memref<1536x128xf32, #tpu.memory_space<hbm>> -> memref<1536x128xf32, #tpu.memory_space<hbm>>
    tpu.wait_indirect_dma semaphore(%arg9 : memref<!tpu.dma_semaphore, #tpu.memory_space<semaphore_mem>>) src(%dma_wait3A_27 : memref<1536x128xf32, #tpu.memory_space<hbm>>) dst(%arg7 : memref<384x128xf32, #tpu.memory_space<vmem>>)
    "tpu.region"() ({
      %run_scoped3A = tpu.sem_alloc : memref<!tpu.dma_semaphore, #tpu.memory_space<semaphore_mem>>
      %dma_start3A_34 = arith.constant 0 : i32
      %dma_start3A_35 = tpu.memref_slice %arg2[%mul3A_21, %dma_start3A_34] : memref<24576x64xf32, #tpu.memory_space<hbm>> -> memref<384x64xf32, #tpu.memory_space<hbm>>
      %dma_start3A_36 = arith.constant 0 : i32
      %dma_start3A_37 = tpu.memref_slice %arg2[%mul3A_21, %dma_start3A_36] : memref<24576x64xf32, #tpu.memory_space<hbm>> -> memref<384x64xf32, #tpu.memory_space<hbm>>
      tpu.enqueue_dma source(%dma_start3A_37 : memref<384x64xf32, #tpu.memory_space<hbm>>) target(%arg8 : memref<384x64xf32, #tpu.memory_space<vmem>>) target_semaphore(%run_scoped3A : memref<!tpu.dma_semaphore, #tpu.memory_space<semaphore_mem>>)
      %dma_wait3A_38 = arith.constant 0 : i32
      %dma_wait3A_39 = tpu.memref_slice %arg2[%mul3A_21, %dma_wait3A_38] : memref<24576x64xf32, #tpu.memory_space<hbm>> -> memref<384x64xf32, #tpu.memory_space<hbm>>
      %dma_wait3A_40 = arith.constant 0 : i32
      %dma_wait3A_41 = tpu.memref_slice %arg2[%mul3A_21, %dma_wait3A_40] : memref<24576x64xf32, #tpu.memory_space<hbm>> -> memref<384x64xf32, #tpu.memory_space<hbm>>
      tpu.wait_dma2 semaphore(%run_scoped3A : memref<!tpu.dma_semaphore, #tpu.memory_space<semaphore_mem>>) src(%dma_wait3A_41 : memref<384x64xf32, #tpu.memory_space<hbm>>) dst(%arg8 : memref<384x64xf32, #tpu.memory_space<vmem>>)
      tpu.yield
    }) : () -> ()
    %scan3A_28 = arith.constant 0 : i32
    %scan3A_29 = arith.constant 0 : i32
    %scan3A_30 = arith.constant 384 : i32
    %scan3A_31 = arith.addi %scan3A_29, %scan3A_30 : i32
    %scan3A_32 = arith.constant 1 : i32
    scf.for %scan3A_34 = %scan3A_29 to %scan3A_31 step %scan3A_32  : i32 {
      %get3A = arith.index_cast %scan3A_34 : i32 to index
      %get3A_35 = arith.constant 64 : index
      %get3A_36 = tpu.vector_load %arg7[%get3A, %get3A_35] {strides = array<i32>} : memref<384x128xf32, #tpu.memory_space<vmem>>, vector<1x16xf32>,
      %get3A_37 = vector.shape_cast %get3A_36 : vector<1x16xf32> to vector<16xf32>
      %sub3A = arith.constant 1.000000e+00 : f32
      %sub3A_38 = vector.broadcast %sub3A : f32 to vector<16xf32>
      %sub3A_39 = arith.subf %sub3A_38, %get3A_37 : vector<16xf32>
      %get3A_40 = arith.index_cast %scan3A_34 : i32 to index
      %get3A_41 = arith.constant 0 : index
      %get3A_42 = tpu.vector_load %arg7[%get3A_40, %get3A_41] {strides = array<i32>} : memref<384x128xf32, #tpu.memory_space<vmem>>, vector<1x16xf32>,
      %get3A_43 = vector.shape_cast %get3A_42 : vector<1x16xf32> to vector<16xf32>
      %get3A_44 = arith.index_cast %scan3A_34 : i32 to index
      %get3A_45 = arith.constant 0 : index
      %get3A_46 = tpu.vector_load %arg8[%get3A_44, %get3A_45] {strides = array<i32>} : memref<384x64xf32, #tpu.memory_space<vmem>>, vector<1x16xf32>,
      %get3A_47 = vector.shape_cast %get3A_46 : vector<1x16xf32> to vector<16xf32>
      %mul3A_48 = arith.mulf %sub3A_39, %get3A_47 : vector<16xf32>
      %add3A_49 = arith.addf %get3A_43, %mul3A_48 : vector<16xf32>
      %swap3A = arith.index_cast %scan3A_34 : i32 to index
      %swap3A_50 = arith.constant 0 : index
      %swap3A_51 = tpu.vector_load %arg8[%swap3A, %swap3A_50] {strides = array<i32>} : memref<384x64xf32, #tpu.memory_space<vmem>>, vector<1x16xf32>,
      %swap3A_52 = vector.shape_cast %swap3A_51 : vector<1x16xf32> to vector<16xf32>
      %swap3A_53 = vector.shape_cast %add3A_49 : vector<16xf32> to vector<1x16xf32>
      tpu.vector_store %arg8[%swap3A, %swap3A_50], %swap3A_53 {strides = array<i32>} : memref<384x64xf32, #tpu.memory_space<vmem>>, vector<1x16xf32>,
      %get3A_54 = arith.index_cast %scan3A_34 : i32 to index
      %get3A_55 = arith.constant 16 : index
      %get3A_56 = tpu.vector_load %arg7[%get3A_54, %get3A_55] {strides = array<i32>} : memref<384x128xf32, #tpu.memory_space<vmem>>, vector<1x16xf32>,
      %get3A_57 = vector.shape_cast %get3A_56 : vector<1x16xf32> to vector<16xf32>
      %get3A_58 = arith.index_cast %scan3A_34 : i32 to index
      %get3A_59 = arith.constant 16 : index
      %get3A_60 = tpu.vector_load %arg8[%get3A_58, %get3A_59] {strides = array<i32>} : memref<384x64xf32, #tpu.memory_space<vmem>>, vector<1x16xf32>,
      %get3A_61 = vector.shape_cast %get3A_60 : vector<1x16xf32> to vector<16xf32>
      %mul3A_62 = arith.mulf %sub3A_39, %get3A_61 : vector<16xf32>
      %add3A_63 = arith.addf %get3A_57, %mul3A_62 : vector<16xf32>
      %swap3A_64 = arith.index_cast %scan3A_34 : i32 to index
      %swap3A_65 = arith.constant 16 : index
      %swap3A_66 = tpu.vector_load %arg8[%swap3A_64, %swap3A_65] {strides = array<i32>} : memref<384x64xf32, #tpu.memory_space<vmem>>, vector<1x16xf32>,
      %swap3A_67 = vector.shape_cast %swap3A_66 : vector<1x16xf32> to vector<16xf32>
      %swap3A_68 = vector.shape_cast %add3A_63 : vector<16xf32> to vector<1x16xf32>
      tpu.vector_store %arg8[%swap3A_64, %swap3A_65], %swap3A_68 {strides = array<i32>} : memref<384x64xf32, #tpu.memory_space<vmem>>, vector<1x16xf32>,
      %get3A_69 = arith.index_cast %scan3A_34 : i32 to index
      %get3A_70 = arith.constant 32 : index
      %get3A_71 = tpu.vector_load %arg7[%get3A_69, %get3A_70] {strides = array<i32>} : memref<384x128xf32, #tpu.memory_space<vmem>>, vector<1x16xf32>,
      %get3A_72 = vector.shape_cast %get3A_71 : vector<1x16xf32> to vector<16xf32>
      %get3A_73 = arith.index_cast %scan3A_34 : i32 to index
      %get3A_74 = arith.constant 32 : index
      %get3A_75 = tpu.vector_load %arg8[%get3A_73, %get3A_74] {strides = array<i32>} : memref<384x64xf32, #tpu.memory_space<vmem>>, vector<1x16xf32>,
      %get3A_76 = vector.shape_cast %get3A_75 : vector<1x16xf32> to vector<16xf32>
      %mul3A_77 = arith.mulf %sub3A_39, %get3A_76 : vector<16xf32>
      %add3A_78 = arith.addf %get3A_72, %mul3A_77 : vector<16xf32>
      %swap3A_79 = arith.index_cast %scan3A_34 : i32 to index
      %swap3A_80 = arith.constant 32 : index
      %swap3A_81 = tpu.vector_load %arg8[%swap3A_79, %swap3A_80] {strides = array<i32>} : memref<384x64xf32, #tpu.memory_space<vmem>>, vector<1x16xf32>,
      %swap3A_82 = vector.shape_cast %swap3A_81 : vector<1x16xf32> to vector<16xf32>
      %swap3A_83 = vector.shape_cast %add3A_78 : vector<16xf32> to vector<1x16xf32>
      tpu.vector_store %arg8[%swap3A_79, %swap3A_80], %swap3A_83 {strides = array<i32>} : memref<384x64xf32, #tpu.memory_space<vmem>>, vector<1x16xf32>,
      %get3A_84 = arith.index_cast %scan3A_34 : i32 to index
      %get3A_85 = arith.constant 48 : index
      %get3A_86 = tpu.vector_load %arg7[%get3A_84, %get3A_85] {strides = array<i32>} : memref<384x128xf32, #tpu.memory_space<vmem>>, vector<1x16xf32>,
      %get3A_87 = vector.shape_cast %get3A_86 : vector<1x16xf32> to vector<16xf32>
      %get3A_88 = arith.index_cast %scan3A_34 : i32 to index
      %get3A_89 = arith.constant 48 : index
      %get3A_90 = tpu.vector_load %arg8[%get3A_88, %get3A_89] {strides = array<i32>} : memref<384x64xf32, #tpu.memory_space<vmem>>, vector<1x16xf32>,
      %get3A_91 = vector.shape_cast %get3A_90 : vector<1x16xf32> to vector<16xf32>
      %mul3A_92 = arith.mulf %sub3A_39, %get3A_91 : vector<16xf32>
      %add3A_93 = arith.addf %get3A_87, %mul3A_92 : vector<16xf32>
      %swap3A_94 = arith.index_cast %scan3A_34 : i32 to index
      %swap3A_95 = arith.constant 48 : index
      %swap3A_96 = tpu.vector_load %arg8[%swap3A_94, %swap3A_95] {strides = array<i32>} : memref<384x64xf32, #tpu.memory_space<vmem>>, vector<1x16xf32>,
      %swap3A_97 = vector.shape_cast %swap3A_96 : vector<1x16xf32> to vector<16xf32>
      %swap3A_98 = vector.shape_cast %add3A_93 : vector<16xf32> to vector<1x16xf32>
      tpu.vector_store %arg8[%swap3A_94, %swap3A_95], %swap3A_98 {strides = array<i32>} : memref<384x64xf32, #tpu.memory_space<vmem>>, vector<1x16xf32>,
    }
    %scan3A_33 = arith.constant 384 : i32
    "tpu.region"() ({
      %run_scoped3A = tpu.sem_alloc : memref<!tpu.dma_semaphore, #tpu.memory_space<semaphore_mem>>
      %dma_start3A_34 = arith.constant 0 : i32
      %dma_start3A_35 = tpu.memref_slice %arg5[%mul3A_21, %dma_start3A_34] : memref<24576x64xf32, #tpu.memory_space<hbm>> -> memref<384x64xf32, #tpu.memory_space<hbm>>
      %dma_start3A_36 = arith.constant 0 : i32
      %dma_start3A_37 = tpu.memref_slice %arg5[%mul3A_21, %dma_start3A_36] : memref<24576x64xf32, #tpu.memory_space<hbm>> -> memref<384x64xf32, #tpu.memory_space<hbm>>
      tpu.enqueue_dma source(%arg8 : memref<384x64xf32, #tpu.memory_space<vmem>>) target(%dma_start3A_37 : memref<384x64xf32, #tpu.memory_space<hbm>>) target_semaphore(%run_scoped3A : memref<!tpu.dma_semaphore, #tpu.memory_space<semaphore_mem>>)
      %dma_wait3A_38 = arith.constant 0 : i32
      %dma_wait3A_39 = tpu.memref_slice %arg5[%mul3A_21, %dma_wait3A_38] : memref<24576x64xf32, #tpu.memory_space<hbm>> -> memref<384x64xf32, #tpu.memory_space<hbm>>
      %dma_wait3A_40 = arith.constant 0 : i32
      %dma_wait3A_41 = tpu.memref_slice %arg5[%mul3A_21, %dma_wait3A_40] : memref<24576x64xf32, #tpu.memory_space<hbm>> -> memref<384x64xf32, #tpu.memory_space<hbm>>
      tpu.wait_dma2 semaphore(%run_scoped3A : memref<!tpu.dma_semaphore, #tpu.memory_space<semaphore_mem>>) src(%arg8 : memref<384x64xf32, #tpu.memory_space<vmem>>) dst(%dma_wait3A_41 : memref<384x64xf32, #tpu.memory_space<hbm>>)
      tpu.yield
    }) : () -> ()
    return
  }
}

module attributes {stable_mosaic.version = 14 : i64} {
  func.func @_head_kernel(%arg0: i32, %arg1: memref<1x2048x64xf32, #tpu.memory_space<vmem>>, %arg2: memref<1x2048x64xf32, #tpu.memory_space<vmem>>, %arg3: memref<1x2048x64xf32, #tpu.memory_space<vmem>>, %arg4: memref<32x64xf32, #tpu.memory_space<vmem>>, %arg5: memref<1x32xf32, #tpu.memory_space<vmem>>, %arg6: memref<1x128xi32, #tpu.memory_space<vmem>>, %arg7: memref<1x2048x64xf32, #tpu.memory_space<vmem>>, %arg8: memref<1x128x128xf32, #tpu.memory_space<vmem>>, %arg9: memref<1x1x2048xi32, #tpu.memory_space<vmem>>) attributes {dimension_semantics = [#tpu.dimension_semantics<parallel>], iteration_bounds = array<i64: 12>, scalar_prefetch = 0 : i64, scratch_operands = 0 : i64, tpu.core_type = #tpu.core_type<tc>, window_params = [{transform_indices = @transform_0, window_bounds = array<i64: 1, 2048, 64>}, {transform_indices = @transform_1, window_bounds = array<i64: 1, 2048, 64>}, {transform_indices = @transform_2, window_bounds = array<i64: 1, 2048, 64>}, {pipeline_mode = #tpu.pipeline_mode<synchronous>, transform_indices = @transform_3, window_bounds = array<i64: 32, 64>}, {pipeline_mode = #tpu.pipeline_mode<synchronous>, transform_indices = @transform_4, window_bounds = array<i64: 1, 32>}, {pipeline_mode = #tpu.pipeline_mode<synchronous>, transform_indices = @transform_5, window_bounds = array<i64: 1, 128>}, {transform_indices = @transform_6, window_bounds = array<i64: 1, 2048, 64>}, {transform_indices = @transform_7, window_bounds = array<i64: 1, 128, 128>}, {transform_indices = @transform_8, window_bounds = array<i64: 1, 1, 2048>}]} {
    %get3A = arith.constant 0 : index
    %get3A_0 = arith.constant 0 : index
    %get3A_1 = arith.constant 0 : index
    %get3A_2 = vector.load %arg1[%get3A, %get3A_0, %get3A_1] : memref<1x2048x64xf32, #tpu.memory_space<vmem>>, vector<1x2048x64xf32>
    %get3A_3 = vector.shape_cast %get3A_2 : vector<1x2048x64xf32> to vector<2048x64xf32>
    %get3A_4 = arith.constant 0 : index
    %get3A_5 = arith.constant 0 : index
    %get3A_6 = arith.constant 0 : index
    %get3A_7 = vector.load %arg2[%get3A_4, %get3A_5, %get3A_6] : memref<1x2048x64xf32, #tpu.memory_space<vmem>>, vector<1x2048x64xf32>
    %get3A_8 = vector.shape_cast %get3A_7 : vector<1x2048x64xf32> to vector<2048x64xf32>
    %get3A_9 = arith.constant 0 : index
    %get3A_10 = arith.constant 0 : index
    %get3A_11 = arith.constant 0 : index
    %get3A_12 = vector.load %arg3[%get3A_9, %get3A_10, %get3A_11] : memref<1x2048x64xf32, #tpu.memory_space<vmem>>, vector<1x2048x64xf32>
    %get3A_13 = vector.shape_cast %get3A_12 : vector<1x2048x64xf32> to vector<2048x64xf32>
    %get3A_14 = arith.constant 0 : index
    %get3A_15 = arith.constant 0 : index
    %get3A_16 = vector.load %arg4[%get3A_14, %get3A_15] : memref<32x64xf32, #tpu.memory_space<vmem>>, vector<32x64xf32>
    %get3A_17 = arith.constant 0 : index
    %get3A_18 = arith.constant 0 : index
    %get3A_19 = vector.load %arg5[%get3A_17, %get3A_18] : memref<1x32xf32, #tpu.memory_space<vmem>>, vector<1x32xf32>
    %get3A_20 = arith.constant 0 : index
    %get3A_21 = arith.constant 0 : index
    %get3A_22 = vector.load %arg6[%get3A_20, %get3A_21] : memref<1x128xi32, #tpu.memory_space<vmem>>, vector<1x128xi32>
    %convert_element_type3A = arith.truncf %get3A_3 : vector<2048x64xf32> to vector<2048x64xbf16>
    %convert_element_type3A_23 = arith.truncf %get3A_16 : vector<32x64xf32> to vector<32x64xbf16>
    %dot_general3A = arith.constant dense<0.000000e+00> : vector<2048x32xf32>
    %dot_general3A_24 = tpu.matmul %convert_element_type3A, %convert_element_type3A_23, %dot_general3A {dimension_numbers = #tpu.dot_dimension_numbers<[1], [1], [0], [0], [0, 0, 1, 0], [], []>, transpose_lhs_hint = false} : vector<2048x64xbf16>, vector<32x64xbf16>, vector<2048x32xf32> -> vector<2048x32xf32>
    %add3A = vector.broadcast %get3A_19 : vector<1x32xf32> to vector<2048x32xf32>
    %add3A_25 = arith.addf %dot_general3A_24, %add3A : vector<2048x32xf32>
    %gt3A = arith.constant 0.000000e+00 : f32
    %gt3A_26 = vector.broadcast %gt3A : f32 to vector<2048x32xf32>
    %gt3A_27 = arith.cmpf ogt, %add3A_25, %gt3A_26 : vector<2048x32xf32>
    %convert_element_type3A_28 = arith.extui %gt3A_27 : vector<2048x32xi1> to vector<2048x32xi32>
    %convert_element_type3A_29 = arith.sitofp %convert_element_type3A_28 : vector<2048x32xi32> to vector<2048x32xf32>
    %iota3A = tpu.iota {dimensions = array<i32: 0>} : vector<2048x128xi32>
    %eq3A = vector.broadcast %get3A_22 : vector<1x128xi32> to vector<2048x128xi32>
    %eq3A_30 = arith.cmpi eq, %iota3A, %eq3A : vector<2048x128xi32>
    %convert_element_type3A_31 = arith.extui %eq3A_30 : vector<2048x128xi1> to vector<2048x128xi32>
    %convert_element_type3A_32 = arith.sitofp %convert_element_type3A_31 : vector<2048x128xi32> to vector<2048x128xf32>
    %convert_element_type3A_33 = arith.truncf %convert_element_type3A_32 : vector<2048x128xf32> to vector<2048x128xbf16>
    %convert_element_type3A_34 = arith.truncf %convert_element_type3A_29 : vector<2048x32xf32> to vector<2048x32xbf16>
    %dot_general3A_35 = arith.constant dense<0.000000e+00> : vector<128x32xf32>
    %dot_general3A_36 = tpu.matmul %convert_element_type3A_33, %convert_element_type3A_34, %dot_general3A_35 {dimension_numbers = #tpu.dot_dimension_numbers<[0], [0], [1], [1], [0, 1, 1, 1], [], []>, transpose_lhs_hint = false} : vector<2048x128xbf16>, vector<2048x32xbf16>, vector<128x32xf32> -> vector<128x32xf32>
    %iota3A_37 = tpu.iota {dimensions = array<i32: 0>} : vector<128x2048xi32>
    %convert_element_type3A_38 = arith.sitofp %iota3A_37 : vector<128x2048xi32> to vector<128x2048xf32>
    %reduce_sum3A = arith.constant dense<0.000000e+00> : vector<128xf32>
    %reduce_sum3A_39 = vector.multi_reduction <add>, %dot_general3A_36, %reduce_sum3A [1] : vector<128x32xf32> to vector<128xf32>
    %broadcast_in_dim3A = vector.shape_cast %reduce_sum3A_39 : vector<128xf32> to vector<128x1xf32>
    %mul3A = arith.constant 2.048000e+03 : f32
    %mul3A_40 = vector.broadcast %mul3A : f32 to vector<128x1xf32>
    %mul3A_41 = arith.mulf %broadcast_in_dim3A, %mul3A_40 : vector<128x1xf32>
    %add3A_42 = arith.constant 6.553600e+04 : f32
    %add3A_43 = vector.broadcast %add3A_42 : f32 to vector<128x2048xf32>
    %add3A_44 = arith.addf %add3A_43, %convert_element_type3A_38 : vector<128x2048xf32>
    %add3A_45 = vector.broadcast %mul3A_41 : vector<128x1xf32> to vector<128x2048xf32>
    %add3A_46 = arith.addf %add3A_45, %add3A_44 : vector<128x2048xf32>
    %convert_element_type3A_47 = arith.truncf %dot_general3A_36 : vector<128x32xf32> to vector<128x32xbf16>
    %convert_element_type3A_48 = arith.truncf %convert_element_type3A_29 : vector<2048x32xf32> to vector<2048x32xbf16>
    %dot_general3A_49 = arith.constant dense<0.000000e+00> : vector<128x2048xf32>
    %dot_general3A_50 = tpu.matmul %convert_element_type3A_47, %convert_element_type3A_48, %dot_general3A_49 {dimension_numbers = #tpu.dot_dimension_numbers<[1], [1], [0], [0], [0, 0, 1, 0], [], []>, transpose_lhs_hint = false} : vector<128x32xbf16>, vector<2048x32xbf16>, vector<128x2048xf32> -> vector<128x2048xf32>
    %mul3A_51 = arith.constant 4.096000e+03 : f32
    %mul3A_52 = vector.broadcast %mul3A_51 : f32 to vector<128x2048xf32>
    %mul3A_53 = arith.mulf %mul3A_52, %dot_general3A_50 : vector<128x2048xf32>
    %sub3A = arith.subf %add3A_46, %mul3A_53 : vector<128x2048xf32>
    %reduce_min3A = arith.constant dense<0x7F800000> : vector<2048xf32>
    %reduce_min3A_54 = vector.multi_reduction <minimumf>, %sub3A, %reduce_min3A [0] : vector<128x2048xf32> to vector<2048xf32>
    %broadcast_in_dim3A_55 = vector.shape_cast %reduce_min3A_54 : vector<2048xf32> to vector<1x2048xf32>
    %convert_element_type3A_56 = arith.fptosi %broadcast_in_dim3A_55 : vector<1x2048xf32> to vector<1x2048xi32>
    %and3A = arith.constant 2047 : i32
    %and3A_57 = vector.broadcast %and3A : i32 to vector<1x2048xi32>
    %and3A_58 = arith.andi %convert_element_type3A_56, %and3A_57 : vector<1x2048xi32>
    %eq3A_59 = vector.broadcast %and3A_58 : vector<1x2048xi32> to vector<128x2048xi32>
    %eq3A_60 = arith.cmpi eq, %iota3A_37, %eq3A_59 : vector<128x2048xi32>
    %convert_element_type3A_61 = arith.extui %eq3A_60 : vector<128x2048xi1> to vector<128x2048xi32>
    %convert_element_type3A_62 = arith.sitofp %convert_element_type3A_61 : vector<128x2048xi32> to vector<128x2048xf32>
    %reduce_sum3A_63 = arith.constant dense<0.000000e+00> : vector<128xf32>
    %reduce_sum3A_64 = vector.multi_reduction <add>, %convert_element_type3A_62, %reduce_sum3A_63 [1] : vector<128x2048xf32> to vector<128xf32>
    %broadcast_in_dim3A_65 = vector.shape_cast %reduce_sum3A_64 : vector<128xf32> to vector<128x1xf32>
    %convert_element_type3A_66 = arith.truncf %convert_element_type3A_62 : vector<128x2048xf32> to vector<128x2048xbf16>
    %convert_element_type3A_67 = arith.truncf %convert_element_type3A_29 : vector<2048x32xf32> to vector<2048x32xbf16>
    %dot_general3A_68 = arith.constant dense<0.000000e+00> : vector<128x32xf32>
    %dot_general3A_69 = tpu.matmul %convert_element_type3A_66, %convert_element_type3A_67, %dot_general3A_68 {dimension_numbers = #tpu.dot_dimension_numbers<[1], [0], [0], [1], [0, 0, 1, 1], [], []>, transpose_lhs_hint = false} : vector<128x2048xbf16>, vector<2048x32xbf16>, vector<128x32xf32> -> vector<128x32xf32>
    %max3A = arith.constant 1.000000e+00 : f32
    %max3A_70 = vector.broadcast %max3A : f32 to vector<128x1xf32>
    %max3A_71 = arith.maximumf %broadcast_in_dim3A_65, %max3A_70 : vector<128x1xf32>
    %div3A = vector.broadcast %max3A_71 : vector<128x1xf32> to vector<128x32xf32>
    %div3A_72 = arith.divf %dot_general3A_69, %div3A : vector<128x32xf32>
    %gt3A_73 = arith.constant 5.000000e-01 : f32
    %gt3A_74 = vector.broadcast %gt3A_73 : f32 to vector<128x32xf32>
    %gt3A_75 = arith.cmpf ogt, %div3A_72, %gt3A_74 : vector<128x32xf32>
    %convert_element_type3A_76 = arith.extui %gt3A_75 : vector<128x32xi1> to vector<128x32xi32>
    %convert_element_type3A_77 = arith.sitofp %convert_element_type3A_76 : vector<128x32xi32> to vector<128x32xf32>
    %gt3A_78 = arith.constant 0.000000e+00 : f32
    %gt3A_79 = vector.broadcast %gt3A_78 : f32 to vector<128x1xf32>
    %gt3A_80 = arith.cmpf ogt, %broadcast_in_dim3A_65, %gt3A_79 : vector<128x1xf32>
    %broadcast_in_dim3A_81 = vector.shape_cast %gt3A_80 : vector<128x1xi1> to vector<128x1xi1>
    %broadcast_in_dim3A_82 = vector.broadcast %broadcast_in_dim3A_81 : vector<128x1xi1> to vector<128x32xi1>
    %select_n3A = arith.select %broadcast_in_dim3A_82, %convert_element_type3A_77, %dot_general3A_36 : vector<128x32xi1>, vector<128x32xf32>
    %reduce_sum3A_83 = arith.constant dense<0.000000e+00> : vector<128xf32>
    %reduce_sum3A_84 = vector.multi_reduction <add>, %select_n3A, %reduce_sum3A_83 [1] : vector<128x32xf32> to vector<128xf32>
    %broadcast_in_dim3A_85 = vector.shape_cast %reduce_sum3A_84 : vector<128xf32> to vector<128x1xf32>
    %mul3A_86 = arith.constant 2.048000e+03 : f32
    %mul3A_87 = vector.broadcast %mul3A_86 : f32 to vector<128x1xf32>
    %mul3A_88 = arith.mulf %broadcast_in_dim3A_85, %mul3A_87 : vector<128x1xf32>
    %add3A_89 = arith.constant 6.553600e+04 : f32
    %add3A_90 = vector.broadcast %add3A_89 : f32 to vector<128x2048xf32>
    %add3A_91 = arith.addf %add3A_90, %convert_element_type3A_38 : vector<128x2048xf32>
    %add3A_92 = vector.broadcast %mul3A_88 : vector<128x1xf32> to vector<128x2048xf32>
    %add3A_93 = arith.addf %add3A_92, %add3A_91 : vector<128x2048xf32>
    %convert_element_type3A_94 = arith.truncf %select_n3A : vector<128x32xf32> to vector<128x32xbf16>
    %convert_element_type3A_95 = arith.truncf %convert_element_type3A_29 : vector<2048x32xf32> to vector<2048x32xbf16>
    %dot_general3A_96 = arith.constant dense<0.000000e+00> : vector<128x2048xf32>
    %dot_general3A_97 = tpu.matmul %convert_element_type3A_94, %convert_element_type3A_95, %dot_general3A_96 {dimension_numbers = #tpu.dot_dimension_numbers<[1], [1], [0], [0], [0, 0, 1, 0], [], []>, transpose_lhs_hint = false} : vector<128x32xbf16>, vector<2048x32xbf16>, vector<128x2048xf32> -> vector<128x2048xf32>
    %mul3A_98 = arith.constant 4.096000e+03 : f32
    %mul3A_99 = vector.broadcast %mul3A_98 : f32 to vector<128x2048xf32>
    %mul3A_100 = arith.mulf %mul3A_99, %dot_general3A_97 : vector<128x2048xf32>
    %sub3A_101 = arith.subf %add3A_93, %mul3A_100 : vector<128x2048xf32>
    %reduce_min3A_102 = arith.constant dense<0x7F800000> : vector<2048xf32>
    %reduce_min3A_103 = vector.multi_reduction <minimumf>, %sub3A_101, %reduce_min3A_102 [0] : vector<128x2048xf32> to vector<2048xf32>
    %broadcast_in_dim3A_104 = vector.shape_cast %reduce_min3A_103 : vector<2048xf32> to vector<1x2048xf32>
    %convert_element_type3A_105 = arith.fptosi %broadcast_in_dim3A_104 : vector<1x2048xf32> to vector<1x2048xi32>
    %and3A_106 = arith.constant 2047 : i32
    %and3A_107 = vector.broadcast %and3A_106 : i32 to vector<1x2048xi32>
    %and3A_108 = arith.andi %convert_element_type3A_105, %and3A_107 : vector<1x2048xi32>
    %eq3A_109 = vector.broadcast %and3A_108 : vector<1x2048xi32> to vector<128x2048xi32>
    %eq3A_110 = arith.cmpi eq, %iota3A_37, %eq3A_109 : vector<128x2048xi32>
    %convert_element_type3A_111 = arith.extui %eq3A_110 : vector<128x2048xi1> to vector<128x2048xi32>
    %convert_element_type3A_112 = arith.sitofp %convert_element_type3A_111 : vector<128x2048xi32> to vector<128x2048xf32>
    %reduce_sum3A_113 = arith.constant dense<0.000000e+00> : vector<128xf32>
    %reduce_sum3A_114 = vector.multi_reduction <add>, %convert_element_type3A_112, %reduce_sum3A_113 [1] : vector<128x2048xf32> to vector<128xf32>
    %broadcast_in_dim3A_115 = vector.shape_cast %reduce_sum3A_114 : vector<128xf32> to vector<128x1xf32>
    %convert_element_type3A_116 = arith.truncf %convert_element_type3A_112 : vector<128x2048xf32> to vector<128x2048xbf16>
    %convert_element_type3A_117 = arith.truncf %convert_element_type3A_29 : vector<2048x32xf32> to vector<2048x32xbf16>
    %dot_general3A_118 = arith.constant dense<0.000000e+00> : vector<128x32xf32>
    %dot_general3A_119 = tpu.matmul %convert_element_type3A_116, %convert_element_type3A_117, %dot_general3A_118 {dimension_numbers = #tpu.dot_dimension_numbers<[1], [0], [0], [1], [0, 0, 1, 1], [], []>, transpose_lhs_hint = false} : vector<128x2048xbf16>, vector<2048x32xbf16>, vector<128x32xf32> -> vector<128x32xf32>
    %max3A_120 = arith.constant 1.000000e+00 : f32
    %max3A_121 = vector.broadcast %max3A_120 : f32 to vector<128x1xf32>
    %max3A_122 = arith.maximumf %broadcast_in_dim3A_115, %max3A_121 : vector<128x1xf32>
    %div3A_123 = vector.broadcast %max3A_122 : vector<128x1xf32> to vector<128x32xf32>
    %div3A_124 = arith.divf %dot_general3A_119, %div3A_123 : vector<128x32xf32>
    %gt3A_125 = arith.constant 5.000000e-01 : f32
    %gt3A_126 = vector.broadcast %gt3A_125 : f32 to vector<128x32xf32>
    %gt3A_127 = arith.cmpf ogt, %div3A_124, %gt3A_126 : vector<128x32xf32>
    %convert_element_type3A_128 = arith.extui %gt3A_127 : vector<128x32xi1> to vector<128x32xi32>
    %convert_element_type3A_129 = arith.sitofp %convert_element_type3A_128 : vector<128x32xi32> to vector<128x32xf32>
    %gt3A_130 = arith.constant 0.000000e+00 : f32
    %gt3A_131 = vector.broadcast %gt3A_130 : f32 to vector<128x1xf32>
    %gt3A_132 = arith.cmpf ogt, %broadcast_in_dim3A_115, %gt3A_131 : vector<128x1xf32>
    %broadcast_in_dim3A_133 = vector.shape_cast %gt3A_132 : vector<128x1xi1> to vector<128x1xi1>
    %broadcast_in_dim3A_134 = vector.broadcast %broadcast_in_dim3A_133 : vector<128x1xi1> to vector<128x32xi1>
    %select_n3A_135 = arith.select %broadcast_in_dim3A_134, %convert_element_type3A_129, %select_n3A : vector<128x32xi1>, vector<128x32xf32>
    %reduce_sum3A_136 = arith.constant dense<0.000000e+00> : vector<128xf32>
    %reduce_sum3A_137 = vector.multi_reduction <add>, %select_n3A_135, %reduce_sum3A_136 [1] : vector<128x32xf32> to vector<128xf32>
    %broadcast_in_dim3A_138 = vector.shape_cast %reduce_sum3A_137 : vector<128xf32> to vector<128x1xf32>
    %mul3A_139 = arith.constant 2.048000e+03 : f32
    %mul3A_140 = vector.broadcast %mul3A_139 : f32 to vector<128x1xf32>
    %mul3A_141 = arith.mulf %broadcast_in_dim3A_138, %mul3A_140 : vector<128x1xf32>
    %add3A_142 = arith.constant 6.553600e+04 : f32
    %add3A_143 = vector.broadcast %add3A_142 : f32 to vector<128x2048xf32>
    %add3A_144 = arith.addf %add3A_143, %convert_element_type3A_38 : vector<128x2048xf32>
    %add3A_145 = vector.broadcast %mul3A_141 : vector<128x1xf32> to vector<128x2048xf32>
    %add3A_146 = arith.addf %add3A_145, %add3A_144 : vector<128x2048xf32>
    %convert_element_type3A_147 = arith.truncf %select_n3A_135 : vector<128x32xf32> to vector<128x32xbf16>
    %convert_element_type3A_148 = arith.truncf %convert_element_type3A_29 : vector<2048x32xf32> to vector<2048x32xbf16>
    %dot_general3A_149 = arith.constant dense<0.000000e+00> : vector<128x2048xf32>
    %dot_general3A_150 = tpu.matmul %convert_element_type3A_147, %convert_element_type3A_148, %dot_general3A_149 {dimension_numbers = #tpu.dot_dimension_numbers<[1], [1], [0], [0], [0, 0, 1, 0], [], []>, transpose_lhs_hint = false} : vector<128x32xbf16>, vector<2048x32xbf16>, vector<128x2048xf32> -> vector<128x2048xf32>
    %mul3A_151 = arith.constant 4.096000e+03 : f32
    %mul3A_152 = vector.broadcast %mul3A_151 : f32 to vector<128x2048xf32>
    %mul3A_153 = arith.mulf %mul3A_152, %dot_general3A_150 : vector<128x2048xf32>
    %sub3A_154 = arith.subf %add3A_146, %mul3A_153 : vector<128x2048xf32>
    %reduce_min3A_155 = arith.constant dense<0x7F800000> : vector<2048xf32>
    %reduce_min3A_156 = vector.multi_reduction <minimumf>, %sub3A_154, %reduce_min3A_155 [0] : vector<128x2048xf32> to vector<2048xf32>
    %broadcast_in_dim3A_157 = vector.shape_cast %reduce_min3A_156 : vector<2048xf32> to vector<1x2048xf32>
    %convert_element_type3A_158 = arith.fptosi %broadcast_in_dim3A_157 : vector<1x2048xf32> to vector<1x2048xi32>
    %and3A_159 = arith.constant 2047 : i32
    %and3A_160 = vector.broadcast %and3A_159 : i32 to vector<1x2048xi32>
    %and3A_161 = arith.andi %convert_element_type3A_158, %and3A_160 : vector<1x2048xi32>
    %eq3A_162 = vector.broadcast %and3A_161 : vector<1x2048xi32> to vector<128x2048xi32>
    %eq3A_163 = arith.cmpi eq, %iota3A_37, %eq3A_162 : vector<128x2048xi32>
    %convert_element_type3A_164 = arith.extui %eq3A_163 : vector<128x2048xi1> to vector<128x2048xi32>
    %convert_element_type3A_165 = arith.sitofp %convert_element_type3A_164 : vector<128x2048xi32> to vector<128x2048xf32>
    %reduce_sum3A_166 = arith.constant dense<0.000000e+00> : vector<128xf32>
    %reduce_sum3A_167 = vector.multi_reduction <add>, %convert_element_type3A_165, %reduce_sum3A_166 [1] : vector<128x2048xf32> to vector<128xf32>
    %broadcast_in_dim3A_168 = vector.shape_cast %reduce_sum3A_167 : vector<128xf32> to vector<128x1xf32>
    %convert_element_type3A_169 = arith.truncf %convert_element_type3A_165 : vector<128x2048xf32> to vector<128x2048xbf16>
    %convert_element_type3A_170 = arith.truncf %convert_element_type3A_29 : vector<2048x32xf32> to vector<2048x32xbf16>
    %dot_general3A_171 = arith.constant dense<0.000000e+00> : vector<128x32xf32>
    %dot_general3A_172 = tpu.matmul %convert_element_type3A_169, %convert_element_type3A_170, %dot_general3A_171 {dimension_numbers = #tpu.dot_dimension_numbers<[1], [0], [0], [1], [0, 0, 1, 1], [], []>, transpose_lhs_hint = false} : vector<128x2048xbf16>, vector<2048x32xbf16>, vector<128x32xf32> -> vector<128x32xf32>
    %max3A_173 = arith.constant 1.000000e+00 : f32
    %max3A_174 = vector.broadcast %max3A_173 : f32 to vector<128x1xf32>
    %max3A_175 = arith.maximumf %broadcast_in_dim3A_168, %max3A_174 : vector<128x1xf32>
    %div3A_176 = vector.broadcast %max3A_175 : vector<128x1xf32> to vector<128x32xf32>
    %div3A_177 = arith.divf %dot_general3A_172, %div3A_176 : vector<128x32xf32>
    %gt3A_178 = arith.constant 5.000000e-01 : f32
    %gt3A_179 = vector.broadcast %gt3A_178 : f32 to vector<128x32xf32>
    %gt3A_180 = arith.cmpf ogt, %div3A_177, %gt3A_179 : vector<128x32xf32>
    %convert_element_type3A_181 = arith.extui %gt3A_180 : vector<128x32xi1> to vector<128x32xi32>
    %convert_element_type3A_182 = arith.sitofp %convert_element_type3A_181 : vector<128x32xi32> to vector<128x32xf32>
    %gt3A_183 = arith.constant 0.000000e+00 : f32
    %gt3A_184 = vector.broadcast %gt3A_183 : f32 to vector<128x1xf32>
    %gt3A_185 = arith.cmpf ogt, %broadcast_in_dim3A_168, %gt3A_184 : vector<128x1xf32>
    %broadcast_in_dim3A_186 = vector.shape_cast %gt3A_185 : vector<128x1xi1> to vector<128x1xi1>
    %broadcast_in_dim3A_187 = vector.broadcast %broadcast_in_dim3A_186 : vector<128x1xi1> to vector<128x32xi1>
    %select_n3A_188 = arith.select %broadcast_in_dim3A_187, %convert_element_type3A_182, %select_n3A_135 : vector<128x32xi1>, vector<128x32xf32>
    %reduce_sum3A_189 = arith.constant dense<0.000000e+00> : vector<128xf32>
    %reduce_sum3A_190 = vector.multi_reduction <add>, %select_n3A_188, %reduce_sum3A_189 [1] : vector<128x32xf32> to vector<128xf32>
    %broadcast_in_dim3A_191 = vector.shape_cast %reduce_sum3A_190 : vector<128xf32> to vector<128x1xf32>
    %mul3A_192 = arith.constant 2.048000e+03 : f32
    %mul3A_193 = vector.broadcast %mul3A_192 : f32 to vector<128x1xf32>
    %mul3A_194 = arith.mulf %broadcast_in_dim3A_191, %mul3A_193 : vector<128x1xf32>
    %add3A_195 = arith.constant 6.553600e+04 : f32
    %add3A_196 = vector.broadcast %add3A_195 : f32 to vector<128x2048xf32>
    %add3A_197 = arith.addf %add3A_196, %convert_element_type3A_38 : vector<128x2048xf32>
    %add3A_198 = vector.broadcast %mul3A_194 : vector<128x1xf32> to vector<128x2048xf32>
    %add3A_199 = arith.addf %add3A_198, %add3A_197 : vector<128x2048xf32>
    %convert_element_type3A_200 = arith.truncf %select_n3A_188 : vector<128x32xf32> to vector<128x32xbf16>
    %convert_element_type3A_201 = arith.truncf %convert_element_type3A_29 : vector<2048x32xf32> to vector<2048x32xbf16>
    %dot_general3A_202 = arith.constant dense<0.000000e+00> : vector<128x2048xf32>
    %dot_general3A_203 = tpu.matmul %convert_element_type3A_200, %convert_element_type3A_201, %dot_general3A_202 {dimension_numbers = #tpu.dot_dimension_numbers<[1], [1], [0], [0], [0, 0, 1, 0], [], []>, transpose_lhs_hint = false} : vector<128x32xbf16>, vector<2048x32xbf16>, vector<128x2048xf32> -> vector<128x2048xf32>
    %mul3A_204 = arith.constant 4.096000e+03 : f32
    %mul3A_205 = vector.broadcast %mul3A_204 : f32 to vector<128x2048xf32>
    %mul3A_206 = arith.mulf %mul3A_205, %dot_general3A_203 : vector<128x2048xf32>
    %sub3A_207 = arith.subf %add3A_199, %mul3A_206 : vector<128x2048xf32>
    %reduce_min3A_208 = arith.constant dense<0x7F800000> : vector<2048xf32>
    %reduce_min3A_209 = vector.multi_reduction <minimumf>, %sub3A_207, %reduce_min3A_208 [0] : vector<128x2048xf32> to vector<2048xf32>
    %broadcast_in_dim3A_210 = vector.shape_cast %reduce_min3A_209 : vector<2048xf32> to vector<1x2048xf32>
    %convert_element_type3A_211 = arith.fptosi %broadcast_in_dim3A_210 : vector<1x2048xf32> to vector<1x2048xi32>
    %and3A_212 = arith.constant 2047 : i32
    %and3A_213 = vector.broadcast %and3A_212 : i32 to vector<1x2048xi32>
    %and3A_214 = arith.andi %convert_element_type3A_211, %and3A_213 : vector<1x2048xi32>
    %eq3A_215 = vector.broadcast %and3A_214 : vector<1x2048xi32> to vector<128x2048xi32>
    %eq3A_216 = arith.cmpi eq, %iota3A_37, %eq3A_215 : vector<128x2048xi32>
    %convert_element_type3A_217 = arith.extui %eq3A_216 : vector<128x2048xi1> to vector<128x2048xi32>
    %convert_element_type3A_218 = arith.sitofp %convert_element_type3A_217 : vector<128x2048xi32> to vector<128x2048xf32>
    %reduce_sum3A_219 = arith.constant dense<0.000000e+00> : vector<128xf32>
    %reduce_sum3A_220 = vector.multi_reduction <add>, %convert_element_type3A_218, %reduce_sum3A_219 [1] : vector<128x2048xf32> to vector<128xf32>
    %broadcast_in_dim3A_221 = vector.shape_cast %reduce_sum3A_220 : vector<128xf32> to vector<128x1xf32>
    %convert_element_type3A_222 = arith.truncf %convert_element_type3A_218 : vector<128x2048xf32> to vector<128x2048xbf16>
    %convert_element_type3A_223 = arith.truncf %convert_element_type3A_29 : vector<2048x32xf32> to vector<2048x32xbf16>
    %dot_general3A_224 = arith.constant dense<0.000000e+00> : vector<128x32xf32>
    %dot_general3A_225 = tpu.matmul %convert_element_type3A_222, %convert_element_type3A_223, %dot_general3A_224 {dimension_numbers = #tpu.dot_dimension_numbers<[1], [0], [0], [1], [0, 0, 1, 1], [], []>, transpose_lhs_hint = false} : vector<128x2048xbf16>, vector<2048x32xbf16>, vector<128x32xf32> -> vector<128x32xf32>
    %max3A_226 = arith.constant 1.000000e+00 : f32
    %max3A_227 = vector.broadcast %max3A_226 : f32 to vector<128x1xf32>
    %max3A_228 = arith.maximumf %broadcast_in_dim3A_221, %max3A_227 : vector<128x1xf32>
    %div3A_229 = vector.broadcast %max3A_228 : vector<128x1xf32> to vector<128x32xf32>
    %div3A_230 = arith.divf %dot_general3A_225, %div3A_229 : vector<128x32xf32>
    %gt3A_231 = arith.constant 5.000000e-01 : f32
    %gt3A_232 = vector.broadcast %gt3A_231 : f32 to vector<128x32xf32>
    %gt3A_233 = arith.cmpf ogt, %div3A_230, %gt3A_232 : vector<128x32xf32>
    %convert_element_type3A_234 = arith.extui %gt3A_233 : vector<128x32xi1> to vector<128x32xi32>
    %convert_element_type3A_235 = arith.sitofp %convert_element_type3A_234 : vector<128x32xi32> to vector<128x32xf32>
    %gt3A_236 = arith.constant 0.000000e+00 : f32
    %gt3A_237 = vector.broadcast %gt3A_236 : f32 to vector<128x1xf32>
    %gt3A_238 = arith.cmpf ogt, %broadcast_in_dim3A_221, %gt3A_237 : vector<128x1xf32>
    %broadcast_in_dim3A_239 = vector.shape_cast %gt3A_238 : vector<128x1xi1> to vector<128x1xi1>
    %broadcast_in_dim3A_240 = vector.broadcast %broadcast_in_dim3A_239 : vector<128x1xi1> to vector<128x32xi1>
    %select_n3A_241 = arith.select %broadcast_in_dim3A_240, %convert_element_type3A_235, %select_n3A_188 : vector<128x32xi1>, vector<128x32xf32>
    %reduce_sum3A_242 = arith.constant dense<0.000000e+00> : vector<128xf32>
    %reduce_sum3A_243 = vector.multi_reduction <add>, %select_n3A_241, %reduce_sum3A_242 [1] : vector<128x32xf32> to vector<128xf32>
    %broadcast_in_dim3A_244 = vector.shape_cast %reduce_sum3A_243 : vector<128xf32> to vector<128x1xf32>
    %mul3A_245 = arith.constant 2.048000e+03 : f32
    %mul3A_246 = vector.broadcast %mul3A_245 : f32 to vector<128x1xf32>
    %mul3A_247 = arith.mulf %broadcast_in_dim3A_244, %mul3A_246 : vector<128x1xf32>
    %add3A_248 = arith.constant 6.553600e+04 : f32
    %add3A_249 = vector.broadcast %add3A_248 : f32 to vector<128x2048xf32>
    %add3A_250 = arith.addf %add3A_249, %convert_element_type3A_38 : vector<128x2048xf32>
    %add3A_251 = vector.broadcast %mul3A_247 : vector<128x1xf32> to vector<128x2048xf32>
    %add3A_252 = arith.addf %add3A_251, %add3A_250 : vector<128x2048xf32>
    %convert_element_type3A_253 = arith.truncf %select_n3A_241 : vector<128x32xf32> to vector<128x32xbf16>
    %convert_element_type3A_254 = arith.truncf %convert_element_type3A_29 : vector<2048x32xf32> to vector<2048x32xbf16>
    %dot_general3A_255 = arith.constant dense<0.000000e+00> : vector<128x2048xf32>
    %dot_general3A_256 = tpu.matmul %convert_element_type3A_253, %convert_element_type3A_254, %dot_general3A_255 {dimension_numbers = #tpu.dot_dimension_numbers<[1], [1], [0], [0], [0, 0, 1, 0], [], []>, transpose_lhs_hint = false} : vector<128x32xbf16>, vector<2048x32xbf16>, vector<128x2048xf32> -> vector<128x2048xf32>
    %mul3A_257 = arith.constant 4.096000e+03 : f32
    %mul3A_258 = vector.broadcast %mul3A_257 : f32 to vector<128x2048xf32>
    %mul3A_259 = arith.mulf %mul3A_258, %dot_general3A_256 : vector<128x2048xf32>
    %sub3A_260 = arith.subf %add3A_252, %mul3A_259 : vector<128x2048xf32>
    %reduce_min3A_261 = arith.constant dense<0x7F800000> : vector<2048xf32>
    %reduce_min3A_262 = vector.multi_reduction <minimumf>, %sub3A_260, %reduce_min3A_261 [0] : vector<128x2048xf32> to vector<2048xf32>
    %broadcast_in_dim3A_263 = vector.shape_cast %reduce_min3A_262 : vector<2048xf32> to vector<1x2048xf32>
    %convert_element_type3A_264 = arith.fptosi %broadcast_in_dim3A_263 : vector<1x2048xf32> to vector<1x2048xi32>
    %and3A_265 = arith.constant 2047 : i32
    %and3A_266 = vector.broadcast %and3A_265 : i32 to vector<1x2048xi32>
    %and3A_267 = arith.andi %convert_element_type3A_264, %and3A_266 : vector<1x2048xi32>
    %eq3A_268 = vector.broadcast %and3A_267 : vector<1x2048xi32> to vector<128x2048xi32>
    %eq3A_269 = arith.cmpi eq, %iota3A_37, %eq3A_268 : vector<128x2048xi32>
    %convert_element_type3A_270 = arith.extui %eq3A_269 : vector<128x2048xi1> to vector<128x2048xi32>
    %convert_element_type3A_271 = arith.sitofp %convert_element_type3A_270 : vector<128x2048xi32> to vector<128x2048xf32>
    %reduce_sum3A_272 = arith.constant dense<0.000000e+00> : vector<128xf32>
    %reduce_sum3A_273 = vector.multi_reduction <add>, %convert_element_type3A_271, %reduce_sum3A_272 [1] : vector<128x2048xf32> to vector<128xf32>
    %broadcast_in_dim3A_274 = vector.shape_cast %reduce_sum3A_273 : vector<128xf32> to vector<128x1xf32>
    %convert_element_type3A_275 = arith.truncf %convert_element_type3A_271 : vector<128x2048xf32> to vector<128x2048xbf16>
    %convert_element_type3A_276 = arith.truncf %convert_element_type3A_29 : vector<2048x32xf32> to vector<2048x32xbf16>
    %dot_general3A_277 = arith.constant dense<0.000000e+00> : vector<128x32xf32>
    %dot_general3A_278 = tpu.matmul %convert_element_type3A_275, %convert_element_type3A_276, %dot_general3A_277 {dimension_numbers = #tpu.dot_dimension_numbers<[1], [0], [0], [1], [0, 0, 1, 1], [], []>, transpose_lhs_hint = false} : vector<128x2048xbf16>, vector<2048x32xbf16>, vector<128x32xf32> -> vector<128x32xf32>
    %max3A_279 = arith.constant 1.000000e+00 : f32
    %max3A_280 = vector.broadcast %max3A_279 : f32 to vector<128x1xf32>
    %max3A_281 = arith.maximumf %broadcast_in_dim3A_274, %max3A_280 : vector<128x1xf32>
    %div3A_282 = vector.broadcast %max3A_281 : vector<128x1xf32> to vector<128x32xf32>
    %div3A_283 = arith.divf %dot_general3A_278, %div3A_282 : vector<128x32xf32>
    %gt3A_284 = arith.constant 5.000000e-01 : f32
    %gt3A_285 = vector.broadcast %gt3A_284 : f32 to vector<128x32xf32>
    %gt3A_286 = arith.cmpf ogt, %div3A_283, %gt3A_285 : vector<128x32xf32>
    %convert_element_type3A_287 = arith.extui %gt3A_286 : vector<128x32xi1> to vector<128x32xi32>
    %convert_element_type3A_288 = arith.sitofp %convert_element_type3A_287 : vector<128x32xi32> to vector<128x32xf32>
    %gt3A_289 = arith.constant 0.000000e+00 : f32
    %gt3A_290 = vector.broadcast %gt3A_289 : f32 to vector<128x1xf32>
    %gt3A_291 = arith.cmpf ogt, %broadcast_in_dim3A_274, %gt3A_290 : vector<128x1xf32>
    %broadcast_in_dim3A_292 = vector.shape_cast %gt3A_291 : vector<128x1xi1> to vector<128x1xi1>
    %broadcast_in_dim3A_293 = vector.broadcast %broadcast_in_dim3A_292 : vector<128x1xi1> to vector<128x32xi1>
    %select_n3A_294 = arith.select %broadcast_in_dim3A_293, %convert_element_type3A_288, %select_n3A_241 : vector<128x32xi1>, vector<128x32xf32>
    %reduce_sum3A_295 = arith.constant dense<0.000000e+00> : vector<128xf32>
    %reduce_sum3A_296 = vector.multi_reduction <add>, %select_n3A_294, %reduce_sum3A_295 [1] : vector<128x32xf32> to vector<128xf32>
    %broadcast_in_dim3A_297 = vector.shape_cast %reduce_sum3A_296 : vector<128xf32> to vector<128x1xf32>
    %mul3A_298 = arith.constant 2.048000e+03 : f32
    %mul3A_299 = vector.broadcast %mul3A_298 : f32 to vector<128x1xf32>
    %mul3A_300 = arith.mulf %broadcast_in_dim3A_297, %mul3A_299 : vector<128x1xf32>
    %add3A_301 = arith.constant 6.553600e+04 : f32
    %add3A_302 = vector.broadcast %add3A_301 : f32 to vector<128x2048xf32>
    %add3A_303 = arith.addf %add3A_302, %convert_element_type3A_38 : vector<128x2048xf32>
    %add3A_304 = vector.broadcast %mul3A_300 : vector<128x1xf32> to vector<128x2048xf32>
    %add3A_305 = arith.addf %add3A_304, %add3A_303 : vector<128x2048xf32>
    %convert_element_type3A_306 = arith.truncf %select_n3A_294 : vector<128x32xf32> to vector<128x32xbf16>
    %convert_element_type3A_307 = arith.truncf %convert_element_type3A_29 : vector<2048x32xf32> to vector<2048x32xbf16>
    %dot_general3A_308 = arith.constant dense<0.000000e+00> : vector<128x2048xf32>
    %dot_general3A_309 = tpu.matmul %convert_element_type3A_306, %convert_element_type3A_307, %dot_general3A_308 {dimension_numbers = #tpu.dot_dimension_numbers<[1], [1], [0], [0], [0, 0, 1, 0], [], []>, transpose_lhs_hint = false} : vector<128x32xbf16>, vector<2048x32xbf16>, vector<128x2048xf32> -> vector<128x2048xf32>
    %mul3A_310 = arith.constant 4.096000e+03 : f32
    %mul3A_311 = vector.broadcast %mul3A_310 : f32 to vector<128x2048xf32>
    %mul3A_312 = arith.mulf %mul3A_311, %dot_general3A_309 : vector<128x2048xf32>
    %sub3A_313 = arith.subf %add3A_305, %mul3A_312 : vector<128x2048xf32>
    %reduce_min3A_314 = arith.constant dense<0x7F800000> : vector<2048xf32>
    %reduce_min3A_315 = vector.multi_reduction <minimumf>, %sub3A_313, %reduce_min3A_314 [0] : vector<128x2048xf32> to vector<2048xf32>
    %broadcast_in_dim3A_316 = vector.shape_cast %reduce_min3A_315 : vector<2048xf32> to vector<1x2048xf32>
    %convert_element_type3A_317 = arith.fptosi %broadcast_in_dim3A_316 : vector<1x2048xf32> to vector<1x2048xi32>
    %and3A_318 = arith.constant 2047 : i32
    %and3A_319 = vector.broadcast %and3A_318 : i32 to vector<1x2048xi32>
    %and3A_320 = arith.andi %convert_element_type3A_317, %and3A_319 : vector<1x2048xi32>
    %eq3A_321 = vector.broadcast %and3A_320 : vector<1x2048xi32> to vector<128x2048xi32>
    %eq3A_322 = arith.cmpi eq, %iota3A_37, %eq3A_321 : vector<128x2048xi32>
    %convert_element_type3A_323 = arith.extui %eq3A_322 : vector<128x2048xi1> to vector<128x2048xi32>
    %convert_element_type3A_324 = arith.sitofp %convert_element_type3A_323 : vector<128x2048xi32> to vector<128x2048xf32>
    %reduce_sum3A_325 = arith.constant dense<0.000000e+00> : vector<128xf32>
    %reduce_sum3A_326 = vector.multi_reduction <add>, %convert_element_type3A_324, %reduce_sum3A_325 [1] : vector<128x2048xf32> to vector<128xf32>
    %broadcast_in_dim3A_327 = vector.shape_cast %reduce_sum3A_326 : vector<128xf32> to vector<128x1xf32>
    %convert_element_type3A_328 = arith.truncf %convert_element_type3A_324 : vector<128x2048xf32> to vector<128x2048xbf16>
    %convert_element_type3A_329 = arith.truncf %convert_element_type3A_29 : vector<2048x32xf32> to vector<2048x32xbf16>
    %dot_general3A_330 = arith.constant dense<0.000000e+00> : vector<128x32xf32>
    %dot_general3A_331 = tpu.matmul %convert_element_type3A_328, %convert_element_type3A_329, %dot_general3A_330 {dimension_numbers = #tpu.dot_dimension_numbers<[1], [0], [0], [1], [0, 0, 1, 1], [], []>, transpose_lhs_hint = false} : vector<128x2048xbf16>, vector<2048x32xbf16>, vector<128x32xf32> -> vector<128x32xf32>
    %max3A_332 = arith.constant 1.000000e+00 : f32
    %max3A_333 = vector.broadcast %max3A_332 : f32 to vector<128x1xf32>
    %max3A_334 = arith.maximumf %broadcast_in_dim3A_327, %max3A_333 : vector<128x1xf32>
    %div3A_335 = vector.broadcast %max3A_334 : vector<128x1xf32> to vector<128x32xf32>
    %div3A_336 = arith.divf %dot_general3A_331, %div3A_335 : vector<128x32xf32>
    %gt3A_337 = arith.constant 5.000000e-01 : f32
    %gt3A_338 = vector.broadcast %gt3A_337 : f32 to vector<128x32xf32>
    %gt3A_339 = arith.cmpf ogt, %div3A_336, %gt3A_338 : vector<128x32xf32>
    %convert_element_type3A_340 = arith.extui %gt3A_339 : vector<128x32xi1> to vector<128x32xi32>
    %convert_element_type3A_341 = arith.sitofp %convert_element_type3A_340 : vector<128x32xi32> to vector<128x32xf32>
    %gt3A_342 = arith.constant 0.000000e+00 : f32
    %gt3A_343 = vector.broadcast %gt3A_342 : f32 to vector<128x1xf32>
    %gt3A_344 = arith.cmpf ogt, %broadcast_in_dim3A_327, %gt3A_343 : vector<128x1xf32>
    %broadcast_in_dim3A_345 = vector.shape_cast %gt3A_344 : vector<128x1xi1> to vector<128x1xi1>
    %broadcast_in_dim3A_346 = vector.broadcast %broadcast_in_dim3A_345 : vector<128x1xi1> to vector<128x32xi1>
    %select_n3A_347 = arith.select %broadcast_in_dim3A_346, %convert_element_type3A_341, %select_n3A_294 : vector<128x32xi1>, vector<128x32xf32>
    %reduce_sum3A_348 = arith.constant dense<0.000000e+00> : vector<128xf32>
    %reduce_sum3A_349 = vector.multi_reduction <add>, %select_n3A_347, %reduce_sum3A_348 [1] : vector<128x32xf32> to vector<128xf32>
    %broadcast_in_dim3A_350 = vector.shape_cast %reduce_sum3A_349 : vector<128xf32> to vector<128x1xf32>
    %mul3A_351 = arith.constant 2.048000e+03 : f32
    %mul3A_352 = vector.broadcast %mul3A_351 : f32 to vector<128x1xf32>
    %mul3A_353 = arith.mulf %broadcast_in_dim3A_350, %mul3A_352 : vector<128x1xf32>
    %add3A_354 = arith.constant 6.553600e+04 : f32
    %add3A_355 = vector.broadcast %add3A_354 : f32 to vector<128x2048xf32>
    %add3A_356 = arith.addf %add3A_355, %convert_element_type3A_38 : vector<128x2048xf32>
    %add3A_357 = vector.broadcast %mul3A_353 : vector<128x1xf32> to vector<128x2048xf32>
    %add3A_358 = arith.addf %add3A_357, %add3A_356 : vector<128x2048xf32>
    %convert_element_type3A_359 = arith.truncf %select_n3A_347 : vector<128x32xf32> to vector<128x32xbf16>
    %convert_element_type3A_360 = arith.truncf %convert_element_type3A_29 : vector<2048x32xf32> to vector<2048x32xbf16>
    %dot_general3A_361 = arith.constant dense<0.000000e+00> : vector<128x2048xf32>
    %dot_general3A_362 = tpu.matmul %convert_element_type3A_359, %convert_element_type3A_360, %dot_general3A_361 {dimension_numbers = #tpu.dot_dimension_numbers<[1], [1], [0], [0], [0, 0, 1, 0], [], []>, transpose_lhs_hint = false} : vector<128x32xbf16>, vector<2048x32xbf16>, vector<128x2048xf32> -> vector<128x2048xf32>
    %mul3A_363 = arith.constant 4.096000e+03 : f32
    %mul3A_364 = vector.broadcast %mul3A_363 : f32 to vector<128x2048xf32>
    %mul3A_365 = arith.mulf %mul3A_364, %dot_general3A_362 : vector<128x2048xf32>
    %sub3A_366 = arith.subf %add3A_358, %mul3A_365 : vector<128x2048xf32>
    %reduce_min3A_367 = arith.constant dense<0x7F800000> : vector<2048xf32>
    %reduce_min3A_368 = vector.multi_reduction <minimumf>, %sub3A_366, %reduce_min3A_367 [0] : vector<128x2048xf32> to vector<2048xf32>
    %broadcast_in_dim3A_369 = vector.shape_cast %reduce_min3A_368 : vector<2048xf32> to vector<1x2048xf32>
    %convert_element_type3A_370 = arith.fptosi %broadcast_in_dim3A_369 : vector<1x2048xf32> to vector<1x2048xi32>
    %and3A_371 = arith.constant 2047 : i32
    %and3A_372 = vector.broadcast %and3A_371 : i32 to vector<1x2048xi32>
    %and3A_373 = arith.andi %convert_element_type3A_370, %and3A_372 : vector<1x2048xi32>
    %eq3A_374 = vector.broadcast %and3A_373 : vector<1x2048xi32> to vector<128x2048xi32>
    %eq3A_375 = arith.cmpi eq, %iota3A_37, %eq3A_374 : vector<128x2048xi32>
    %convert_element_type3A_376 = arith.extui %eq3A_375 : vector<128x2048xi1> to vector<128x2048xi32>
    %convert_element_type3A_377 = arith.sitofp %convert_element_type3A_376 : vector<128x2048xi32> to vector<128x2048xf32>
    %reduce_sum3A_378 = arith.constant dense<0.000000e+00> : vector<128xf32>
    %reduce_sum3A_379 = vector.multi_reduction <add>, %convert_element_type3A_377, %reduce_sum3A_378 [1] : vector<128x2048xf32> to vector<128xf32>
    %broadcast_in_dim3A_380 = vector.shape_cast %reduce_sum3A_379 : vector<128xf32> to vector<128x1xf32>
    %convert_element_type3A_381 = arith.truncf %convert_element_type3A_377 : vector<128x2048xf32> to vector<128x2048xbf16>
    %convert_element_type3A_382 = arith.truncf %convert_element_type3A_29 : vector<2048x32xf32> to vector<2048x32xbf16>
    %dot_general3A_383 = arith.constant dense<0.000000e+00> : vector<128x32xf32>
    %dot_general3A_384 = tpu.matmul %convert_element_type3A_381, %convert_element_type3A_382, %dot_general3A_383 {dimension_numbers = #tpu.dot_dimension_numbers<[1], [0], [0], [1], [0, 0, 1, 1], [], []>, transpose_lhs_hint = false} : vector<128x2048xbf16>, vector<2048x32xbf16>, vector<128x32xf32> -> vector<128x32xf32>
    %max3A_385 = arith.constant 1.000000e+00 : f32
    %max3A_386 = vector.broadcast %max3A_385 : f32 to vector<128x1xf32>
    %max3A_387 = arith.maximumf %broadcast_in_dim3A_380, %max3A_386 : vector<128x1xf32>
    %div3A_388 = vector.broadcast %max3A_387 : vector<128x1xf32> to vector<128x32xf32>
    %div3A_389 = arith.divf %dot_general3A_384, %div3A_388 : vector<128x32xf32>
    %gt3A_390 = arith.constant 5.000000e-01 : f32
    %gt3A_391 = vector.broadcast %gt3A_390 : f32 to vector<128x32xf32>
    %gt3A_392 = arith.cmpf ogt, %div3A_389, %gt3A_391 : vector<128x32xf32>
    %convert_element_type3A_393 = arith.extui %gt3A_392 : vector<128x32xi1> to vector<128x32xi32>
    %convert_element_type3A_394 = arith.sitofp %convert_element_type3A_393 : vector<128x32xi32> to vector<128x32xf32>
    %gt3A_395 = arith.constant 0.000000e+00 : f32
    %gt3A_396 = vector.broadcast %gt3A_395 : f32 to vector<128x1xf32>
    %gt3A_397 = arith.cmpf ogt, %broadcast_in_dim3A_380, %gt3A_396 : vector<128x1xf32>
    %broadcast_in_dim3A_398 = vector.shape_cast %gt3A_397 : vector<128x1xi1> to vector<128x1xi1>
    %broadcast_in_dim3A_399 = vector.broadcast %broadcast_in_dim3A_398 : vector<128x1xi1> to vector<128x32xi1>
    %select_n3A_400 = arith.select %broadcast_in_dim3A_399, %convert_element_type3A_394, %select_n3A_347 : vector<128x32xi1>, vector<128x32xf32>
    %reduce_sum3A_401 = arith.constant dense<0.000000e+00> : vector<128xf32>
    %reduce_sum3A_402 = vector.multi_reduction <add>, %select_n3A_400, %reduce_sum3A_401 [1] : vector<128x32xf32> to vector<128xf32>
    %broadcast_in_dim3A_403 = vector.shape_cast %reduce_sum3A_402 : vector<128xf32> to vector<128x1xf32>
    %mul3A_404 = arith.constant 2.048000e+03 : f32
    %mul3A_405 = vector.broadcast %mul3A_404 : f32 to vector<128x1xf32>
    %mul3A_406 = arith.mulf %broadcast_in_dim3A_403, %mul3A_405 : vector<128x1xf32>
    %add3A_407 = arith.constant 6.553600e+04 : f32
    %add3A_408 = vector.broadcast %add3A_407 : f32 to vector<128x2048xf32>
    %add3A_409 = arith.addf %add3A_408, %convert_element_type3A_38 : vector<128x2048xf32>
    %add3A_410 = vector.broadcast %mul3A_406 : vector<128x1xf32> to vector<128x2048xf32>
    %add3A_411 = arith.addf %add3A_410, %add3A_409 : vector<128x2048xf32>
    %convert_element_type3A_412 = arith.truncf %select_n3A_400 : vector<128x32xf32> to vector<128x32xbf16>
    %convert_element_type3A_413 = arith.truncf %convert_element_type3A_29 : vector<2048x32xf32> to vector<2048x32xbf16>
    %dot_general3A_414 = arith.constant dense<0.000000e+00> : vector<128x2048xf32>
    %dot_general3A_415 = tpu.matmul %convert_element_type3A_412, %convert_element_type3A_413, %dot_general3A_414 {dimension_numbers = #tpu.dot_dimension_numbers<[1], [1], [0], [0], [0, 0, 1, 0], [], []>, transpose_lhs_hint = false} : vector<128x32xbf16>, vector<2048x32xbf16>, vector<128x2048xf32> -> vector<128x2048xf32>
    %mul3A_416 = arith.constant 4.096000e+03 : f32
    %mul3A_417 = vector.broadcast %mul3A_416 : f32 to vector<128x2048xf32>
    %mul3A_418 = arith.mulf %mul3A_417, %dot_general3A_415 : vector<128x2048xf32>
    %sub3A_419 = arith.subf %add3A_411, %mul3A_418 : vector<128x2048xf32>
    %reduce_min3A_420 = arith.constant dense<0x7F800000> : vector<2048xf32>
    %reduce_min3A_421 = vector.multi_reduction <minimumf>, %sub3A_419, %reduce_min3A_420 [0] : vector<128x2048xf32> to vector<2048xf32>
    %broadcast_in_dim3A_422 = vector.shape_cast %reduce_min3A_421 : vector<2048xf32> to vector<1x2048xf32>
    %convert_element_type3A_423 = arith.fptosi %broadcast_in_dim3A_422 : vector<1x2048xf32> to vector<1x2048xi32>
    %and3A_424 = arith.constant 2047 : i32
    %and3A_425 = vector.broadcast %and3A_424 : i32 to vector<1x2048xi32>
    %and3A_426 = arith.andi %convert_element_type3A_423, %and3A_425 : vector<1x2048xi32>
    %eq3A_427 = vector.broadcast %and3A_426 : vector<1x2048xi32> to vector<128x2048xi32>
    %eq3A_428 = arith.cmpi eq, %iota3A_37, %eq3A_427 : vector<128x2048xi32>
    %convert_element_type3A_429 = arith.extui %eq3A_428 : vector<128x2048xi1> to vector<128x2048xi32>
    %convert_element_type3A_430 = arith.sitofp %convert_element_type3A_429 : vector<128x2048xi32> to vector<128x2048xf32>
    %reduce_sum3A_431 = arith.constant dense<0.000000e+00> : vector<128xf32>
    %reduce_sum3A_432 = vector.multi_reduction <add>, %convert_element_type3A_430, %reduce_sum3A_431 [1] : vector<128x2048xf32> to vector<128xf32>
    %broadcast_in_dim3A_433 = vector.shape_cast %reduce_sum3A_432 : vector<128xf32> to vector<128x1xf32>
    %convert_element_type3A_434 = arith.truncf %convert_element_type3A_430 : vector<128x2048xf32> to vector<128x2048xbf16>
    %convert_element_type3A_435 = arith.truncf %convert_element_type3A_29 : vector<2048x32xf32> to vector<2048x32xbf16>
    %dot_general3A_436 = arith.constant dense<0.000000e+00> : vector<128x32xf32>
    %dot_general3A_437 = tpu.matmul %convert_element_type3A_434, %convert_element_type3A_435, %dot_general3A_436 {dimension_numbers = #tpu.dot_dimension_numbers<[1], [0], [0], [1], [0, 0, 1, 1], [], []>, transpose_lhs_hint = false} : vector<128x2048xbf16>, vector<2048x32xbf16>, vector<128x32xf32> -> vector<128x32xf32>
    %max3A_438 = arith.constant 1.000000e+00 : f32
    %max3A_439 = vector.broadcast %max3A_438 : f32 to vector<128x1xf32>
    %max3A_440 = arith.maximumf %broadcast_in_dim3A_433, %max3A_439 : vector<128x1xf32>
    %div3A_441 = vector.broadcast %max3A_440 : vector<128x1xf32> to vector<128x32xf32>
    %div3A_442 = arith.divf %dot_general3A_437, %div3A_441 : vector<128x32xf32>
    %gt3A_443 = arith.constant 5.000000e-01 : f32
    %gt3A_444 = vector.broadcast %gt3A_443 : f32 to vector<128x32xf32>
    %gt3A_445 = arith.cmpf ogt, %div3A_442, %gt3A_444 : vector<128x32xf32>
    %convert_element_type3A_446 = arith.extui %gt3A_445 : vector<128x32xi1> to vector<128x32xi32>
    %convert_element_type3A_447 = arith.sitofp %convert_element_type3A_446 : vector<128x32xi32> to vector<128x32xf32>
    %gt3A_448 = arith.constant 0.000000e+00 : f32
    %gt3A_449 = vector.broadcast %gt3A_448 : f32 to vector<128x1xf32>
    %gt3A_450 = arith.cmpf ogt, %broadcast_in_dim3A_433, %gt3A_449 : vector<128x1xf32>
    %broadcast_in_dim3A_451 = vector.shape_cast %gt3A_450 : vector<128x1xi1> to vector<128x1xi1>
    %broadcast_in_dim3A_452 = vector.broadcast %broadcast_in_dim3A_451 : vector<128x1xi1> to vector<128x32xi1>
    %select_n3A_453 = arith.select %broadcast_in_dim3A_452, %convert_element_type3A_447, %select_n3A_400 : vector<128x32xi1>, vector<128x32xf32>
    %reduce_sum3A_454 = arith.constant dense<0.000000e+00> : vector<128xf32>
    %reduce_sum3A_455 = vector.multi_reduction <add>, %select_n3A_453, %reduce_sum3A_454 [1] : vector<128x32xf32> to vector<128xf32>
    %broadcast_in_dim3A_456 = vector.shape_cast %reduce_sum3A_455 : vector<128xf32> to vector<128x1xf32>
    %mul3A_457 = arith.constant 2.048000e+03 : f32
    %mul3A_458 = vector.broadcast %mul3A_457 : f32 to vector<128x1xf32>
    %mul3A_459 = arith.mulf %broadcast_in_dim3A_456, %mul3A_458 : vector<128x1xf32>
    %add3A_460 = arith.constant 6.553600e+04 : f32
    %add3A_461 = vector.broadcast %add3A_460 : f32 to vector<128x2048xf32>
    %add3A_462 = arith.addf %add3A_461, %convert_element_type3A_38 : vector<128x2048xf32>
    %add3A_463 = vector.broadcast %mul3A_459 : vector<128x1xf32> to vector<128x2048xf32>
    %add3A_464 = arith.addf %add3A_463, %add3A_462 : vector<128x2048xf32>
    %convert_element_type3A_465 = arith.truncf %select_n3A_453 : vector<128x32xf32> to vector<128x32xbf16>
    %convert_element_type3A_466 = arith.truncf %convert_element_type3A_29 : vector<2048x32xf32> to vector<2048x32xbf16>
    %dot_general3A_467 = arith.constant dense<0.000000e+00> : vector<128x2048xf32>
    %dot_general3A_468 = tpu.matmul %convert_element_type3A_465, %convert_element_type3A_466, %dot_general3A_467 {dimension_numbers = #tpu.dot_dimension_numbers<[1], [1], [0], [0], [0, 0, 1, 0], [], []>, transpose_lhs_hint = false} : vector<128x32xbf16>, vector<2048x32xbf16>, vector<128x2048xf32> -> vector<128x2048xf32>
    %mul3A_469 = arith.constant 4.096000e+03 : f32
    %mul3A_470 = vector.broadcast %mul3A_469 : f32 to vector<128x2048xf32>
    %mul3A_471 = arith.mulf %mul3A_470, %dot_general3A_468 : vector<128x2048xf32>
    %sub3A_472 = arith.subf %add3A_464, %mul3A_471 : vector<128x2048xf32>
    %reduce_min3A_473 = arith.constant dense<0x7F800000> : vector<2048xf32>
    %reduce_min3A_474 = vector.multi_reduction <minimumf>, %sub3A_472, %reduce_min3A_473 [0] : vector<128x2048xf32> to vector<2048xf32>
    %broadcast_in_dim3A_475 = vector.shape_cast %reduce_min3A_474 : vector<2048xf32> to vector<1x2048xf32>
    %convert_element_type3A_476 = arith.fptosi %broadcast_in_dim3A_475 : vector<1x2048xf32> to vector<1x2048xi32>
    %and3A_477 = arith.constant 2047 : i32
    %and3A_478 = vector.broadcast %and3A_477 : i32 to vector<1x2048xi32>
    %and3A_479 = arith.andi %convert_element_type3A_476, %and3A_478 : vector<1x2048xi32>
    %eq3A_480 = vector.broadcast %and3A_479 : vector<1x2048xi32> to vector<128x2048xi32>
    %eq3A_481 = arith.cmpi eq, %iota3A_37, %eq3A_480 : vector<128x2048xi32>
    %convert_element_type3A_482 = arith.extui %eq3A_481 : vector<128x2048xi1> to vector<128x2048xi32>
    %convert_element_type3A_483 = arith.sitofp %convert_element_type3A_482 : vector<128x2048xi32> to vector<128x2048xf32>
    %reduce_sum3A_484 = arith.constant dense<0.000000e+00> : vector<128xf32>
    %reduce_sum3A_485 = vector.multi_reduction <add>, %convert_element_type3A_483, %reduce_sum3A_484 [1] : vector<128x2048xf32> to vector<128xf32>
    %broadcast_in_dim3A_486 = vector.shape_cast %reduce_sum3A_485 : vector<128xf32> to vector<128x1xf32>
    %convert_element_type3A_487 = arith.truncf %convert_element_type3A_483 : vector<128x2048xf32> to vector<128x2048xbf16>
    %convert_element_type3A_488 = arith.truncf %convert_element_type3A_29 : vector<2048x32xf32> to vector<2048x32xbf16>
    %dot_general3A_489 = arith.constant dense<0.000000e+00> : vector<128x32xf32>
    %dot_general3A_490 = tpu.matmul %convert_element_type3A_487, %convert_element_type3A_488, %dot_general3A_489 {dimension_numbers = #tpu.dot_dimension_numbers<[1], [0], [0], [1], [0, 0, 1, 1], [], []>, transpose_lhs_hint = false} : vector<128x2048xbf16>, vector<2048x32xbf16>, vector<128x32xf32> -> vector<128x32xf32>
    %max3A_491 = arith.constant 1.000000e+00 : f32
    %max3A_492 = vector.broadcast %max3A_491 : f32 to vector<128x1xf32>
    %max3A_493 = arith.maximumf %broadcast_in_dim3A_486, %max3A_492 : vector<128x1xf32>
    %div3A_494 = vector.broadcast %max3A_493 : vector<128x1xf32> to vector<128x32xf32>
    %div3A_495 = arith.divf %dot_general3A_490, %div3A_494 : vector<128x32xf32>
    %gt3A_496 = arith.constant 5.000000e-01 : f32
    %gt3A_497 = vector.broadcast %gt3A_496 : f32 to vector<128x32xf32>
    %gt3A_498 = arith.cmpf ogt, %div3A_495, %gt3A_497 : vector<128x32xf32>
    %convert_element_type3A_499 = arith.extui %gt3A_498 : vector<128x32xi1> to vector<128x32xi32>
    %convert_element_type3A_500 = arith.sitofp %convert_element_type3A_499 : vector<128x32xi32> to vector<128x32xf32>
    %gt3A_501 = arith.constant 0.000000e+00 : f32
    %gt3A_502 = vector.broadcast %gt3A_501 : f32 to vector<128x1xf32>
    %gt3A_503 = arith.cmpf ogt, %broadcast_in_dim3A_486, %gt3A_502 : vector<128x1xf32>
    %broadcast_in_dim3A_504 = vector.shape_cast %gt3A_503 : vector<128x1xi1> to vector<128x1xi1>
    %broadcast_in_dim3A_505 = vector.broadcast %broadcast_in_dim3A_504 : vector<128x1xi1> to vector<128x32xi1>
    %select_n3A_506 = arith.select %broadcast_in_dim3A_505, %convert_element_type3A_500, %select_n3A_453 : vector<128x32xi1>, vector<128x32xf32>
    %reduce_sum3A_507 = arith.constant dense<0.000000e+00> : vector<128xf32>
    %reduce_sum3A_508 = vector.multi_reduction <add>, %select_n3A_506, %reduce_sum3A_507 [1] : vector<128x32xf32> to vector<128xf32>
    %broadcast_in_dim3A_509 = vector.shape_cast %reduce_sum3A_508 : vector<128xf32> to vector<128x1xf32>
    %mul3A_510 = arith.constant 2.048000e+03 : f32
    %mul3A_511 = vector.broadcast %mul3A_510 : f32 to vector<128x1xf32>
    %mul3A_512 = arith.mulf %broadcast_in_dim3A_509, %mul3A_511 : vector<128x1xf32>
    %add3A_513 = arith.constant 6.553600e+04 : f32
    %add3A_514 = vector.broadcast %add3A_513 : f32 to vector<128x2048xf32>
    %add3A_515 = arith.addf %add3A_514, %convert_element_type3A_38 : vector<128x2048xf32>
    %add3A_516 = vector.broadcast %mul3A_512 : vector<128x1xf32> to vector<128x2048xf32>
    %add3A_517 = arith.addf %add3A_516, %add3A_515 : vector<128x2048xf32>
    %convert_element_type3A_518 = arith.truncf %select_n3A_506 : vector<128x32xf32> to vector<128x32xbf16>
    %convert_element_type3A_519 = arith.truncf %convert_element_type3A_29 : vector<2048x32xf32> to vector<2048x32xbf16>
    %dot_general3A_520 = arith.constant dense<0.000000e+00> : vector<128x2048xf32>
    %dot_general3A_521 = tpu.matmul %convert_element_type3A_518, %convert_element_type3A_519, %dot_general3A_520 {dimension_numbers = #tpu.dot_dimension_numbers<[1], [1], [0], [0], [0, 0, 1, 0], [], []>, transpose_lhs_hint = false} : vector<128x32xbf16>, vector<2048x32xbf16>, vector<128x2048xf32> -> vector<128x2048xf32>
    %mul3A_522 = arith.constant 4.096000e+03 : f32
    %mul3A_523 = vector.broadcast %mul3A_522 : f32 to vector<128x2048xf32>
    %mul3A_524 = arith.mulf %mul3A_523, %dot_general3A_521 : vector<128x2048xf32>
    %sub3A_525 = arith.subf %add3A_517, %mul3A_524 : vector<128x2048xf32>
    %reduce_min3A_526 = arith.constant dense<0x7F800000> : vector<2048xf32>
    %reduce_min3A_527 = vector.multi_reduction <minimumf>, %sub3A_525, %reduce_min3A_526 [0] : vector<128x2048xf32> to vector<2048xf32>
    %broadcast_in_dim3A_528 = vector.shape_cast %reduce_min3A_527 : vector<2048xf32> to vector<1x2048xf32>
    %convert_element_type3A_529 = arith.fptosi %broadcast_in_dim3A_528 : vector<1x2048xf32> to vector<1x2048xi32>
    %and3A_530 = arith.constant 2047 : i32
    %and3A_531 = vector.broadcast %and3A_530 : i32 to vector<1x2048xi32>
    %and3A_532 = arith.andi %convert_element_type3A_529, %and3A_531 : vector<1x2048xi32>
    %eq3A_533 = vector.broadcast %and3A_532 : vector<1x2048xi32> to vector<128x2048xi32>
    %eq3A_534 = arith.cmpi eq, %iota3A_37, %eq3A_533 : vector<128x2048xi32>
    %convert_element_type3A_535 = arith.extui %eq3A_534 : vector<128x2048xi1> to vector<128x2048xi32>
    %convert_element_type3A_536 = arith.sitofp %convert_element_type3A_535 : vector<128x2048xi32> to vector<128x2048xf32>
    %reduce_sum3A_537 = arith.constant dense<0.000000e+00> : vector<128xf32>
    %reduce_sum3A_538 = vector.multi_reduction <add>, %convert_element_type3A_536, %reduce_sum3A_537 [1] : vector<128x2048xf32> to vector<128xf32>
    %broadcast_in_dim3A_539 = vector.shape_cast %reduce_sum3A_538 : vector<128xf32> to vector<128x1xf32>
    %convert_element_type3A_540 = arith.truncf %convert_element_type3A_536 : vector<128x2048xf32> to vector<128x2048xbf16>
    %convert_element_type3A_541 = arith.truncf %get3A_3 : vector<2048x64xf32> to vector<2048x64xbf16>
    %dot_general3A_542 = arith.constant dense<0.000000e+00> : vector<128x64xf32>
    %dot_general3A_543 = tpu.matmul %convert_element_type3A_540, %convert_element_type3A_541, %dot_general3A_542 {dimension_numbers = #tpu.dot_dimension_numbers<[1], [0], [0], [1], [0, 0, 1, 1], [], []>, transpose_lhs_hint = false} : vector<128x2048xbf16>, vector<2048x64xbf16>, vector<128x64xf32> -> vector<128x64xf32>
    %max3A_544 = arith.constant 1.000000e+00 : f32
    %max3A_545 = vector.broadcast %max3A_544 : f32 to vector<128x1xf32>
    %max3A_546 = arith.maximumf %broadcast_in_dim3A_539, %max3A_545 : vector<128x1xf32>
    %div3A_547 = vector.broadcast %max3A_546 : vector<128x1xf32> to vector<128x64xf32>
    %div3A_548 = arith.divf %dot_general3A_543, %div3A_547 : vector<128x64xf32>
    %mul3A_549 = arith.constant 1.250000e-01 : f32
    %mul3A_550 = vector.broadcast %mul3A_549 : f32 to vector<128x64xf32>
    %mul3A_551 = arith.mulf %mul3A_550, %div3A_548 : vector<128x64xf32>
    %convert_element_type3A_552 = arith.truncf %mul3A_551 : vector<128x64xf32> to vector<128x64xbf16>
    %convert_element_type3A_553 = arith.truncf %get3A_8 : vector<2048x64xf32> to vector<2048x64xbf16>
    %dot_general3A_554 = arith.constant dense<0.000000e+00> : vector<128x2048xf32>
    %dot_general3A_555 = tpu.matmul %convert_element_type3A_552, %convert_element_type3A_553, %dot_general3A_554 {dimension_numbers = #tpu.dot_dimension_numbers<[1], [1], [0], [0], [0, 0, 1, 0], [], []>, transpose_lhs_hint = false} : vector<128x64xbf16>, vector<2048x64xbf16>, vector<128x2048xf32> -> vector<128x2048xf32>
    %iota3A_556 = tpu.iota {dimensions = array<i32: 1>} : vector<128x2048xi32>
    %bitcast_convert_type3A = tpu.bitcast %dot_general3A_555 : vector<128x2048xf32> -> vector<128x2048xi32>
    %lt3A = arith.constant 0 : i32
    %lt3A_557 = vector.broadcast %lt3A : i32 to vector<128x2048xi32>
    %lt3A_558 = arith.cmpi slt, %bitcast_convert_type3A, %lt3A_557 : vector<128x2048xi32>
    %xor3A = arith.constant 2147483647 : i32
    %xor3A_559 = vector.broadcast %xor3A : i32 to vector<128x2048xi32>
    %xor3A_560 = arith.xori %bitcast_convert_type3A, %xor3A_559 : vector<128x2048xi32>
    %select_n3A_561 = arith.select %lt3A_558, %xor3A_560, %bitcast_convert_type3A : vector<128x2048xi1>, vector<128x2048xi32>
    %broadcast_in_dim3A_562 = arith.constant -2147483648 : i32
    %broadcast_in_dim3A_563 = vector.broadcast %broadcast_in_dim3A_562 : i32 to vector<128x1xi32>
    %broadcast_in_dim3A_564 = arith.constant 2147483647 : i32
    %broadcast_in_dim3A_565 = vector.broadcast %broadcast_in_dim3A_564 : i32 to vector<128x1xi32>
    %and3A_566 = arith.andi %broadcast_in_dim3A_563, %broadcast_in_dim3A_565 : vector<128x1xi32>
    %xor3A_567 = arith.xori %broadcast_in_dim3A_563, %broadcast_in_dim3A_565 : vector<128x1xi32>
    %shift_right_arithmetic3A = arith.constant 1 : i32
    %shift_right_arithmetic3A_568 = vector.broadcast %shift_right_arithmetic3A : i32 to vector<128x1xi32>
    %shift_right_arithmetic3A_569 = arith.shrsi %xor3A_567, %shift_right_arithmetic3A_568 : vector<128x1xi32>
    %add3A_570 = arith.addi %and3A_566, %shift_right_arithmetic3A_569 : vector<128x1xi32>
    %gt3A_571 = vector.broadcast %add3A_570 : vector<128x1xi32> to vector<128x2048xi32>
    %gt3A_572 = arith.cmpi sgt, %select_n3A_561, %gt3A_571 : vector<128x2048xi32>
    %convert_element_type3A_573 = arith.extui %gt3A_572 : vector<128x2048xi1> to vector<128x2048xi32>
    %reduce_sum3A_574 = arith.constant dense<0> : vector<128xi32>
    %reduce_sum3A_575 = vector.multi_reduction <add>, %convert_element_type3A_573, %reduce_sum3A_574 [1] : vector<128x2048xi32> to vector<128xi32>
    %broadcast_in_dim3A_576 = vector.shape_cast %reduce_sum3A_575 : vector<128xi32> to vector<128x1xi32>
    %ge3A = arith.constant 32 : i32
    %ge3A_577 = vector.broadcast %ge3A : i32 to vector<128x1xi32>
    %ge3A_578 = arith.cmpi sge, %broadcast_in_dim3A_576, %ge3A_577 : vector<128x1xi32>
    %select_n3A_579 = arith.select %ge3A_578, %add3A_570, %broadcast_in_dim3A_563 : vector<128x1xi1>, vector<128x1xi32>
    %select_n3A_580 = arith.select %ge3A_578, %broadcast_in_dim3A_565, %add3A_570 : vector<128x1xi1>, vector<128x1xi32>
    %and3A_581 = arith.andi %select_n3A_579, %select_n3A_580 : vector<128x1xi32>
    %xor3A_582 = arith.xori %select_n3A_579, %select_n3A_580 : vector<128x1xi32>
    %shift_right_arithmetic3A_583 = arith.constant 1 : i32
    %shift_right_arithmetic3A_584 = vector.broadcast %shift_right_arithmetic3A_583 : i32 to vector<128x1xi32>
    %shift_right_arithmetic3A_585 = arith.shrsi %xor3A_582, %shift_right_arithmetic3A_584 : vector<128x1xi32>
    %add3A_586 = arith.addi %and3A_581, %shift_right_arithmetic3A_585 : vector<128x1xi32>
    %gt3A_587 = vector.broadcast %add3A_586 : vector<128x1xi32> to vector<128x2048xi32>
    %gt3A_588 = arith.cmpi sgt, %select_n3A_561, %gt3A_587 : vector<128x2048xi32>
    %convert_element_type3A_589 = arith.extui %gt3A_588 : vector<128x2048xi1> to vector<128x2048xi32>
    %reduce_sum3A_590 = arith.constant dense<0> : vector<128xi32>
    %reduce_sum3A_591 = vector.multi_reduction <add>, %convert_element_type3A_589, %reduce_sum3A_590 [1] : vector<128x2048xi32> to vector<128xi32>
    %broadcast_in_dim3A_592 = vector.shape_cast %reduce_sum3A_591 : vector<128xi32> to vector<128x1xi32>
    %ge3A_593 = arith.constant 32 : i32
    %ge3A_594 = vector.broadcast %ge3A_593 : i32 to vector<128x1xi32>
    %ge3A_595 = arith.cmpi sge, %broadcast_in_dim3A_592, %ge3A_594 : vector<128x1xi32>
    %select_n3A_596 = arith.select %ge3A_595, %add3A_586, %select_n3A_579 : vector<128x1xi1>, vector<128x1xi32>
    %select_n3A_597 = arith.select %ge3A_595, %select_n3A_580, %add3A_586 : vector<128x1xi1>, vector<128x1xi32>
    %and3A_598 = arith.andi %select_n3A_596, %select_n3A_597 : vector<128x1xi32>
    %xor3A_599 = arith.xori %select_n3A_596, %select_n3A_597 : vector<128x1xi32>
    %shift_right_arithmetic3A_600 = arith.constant 1 : i32
    %shift_right_arithmetic3A_601 = vector.broadcast %shift_right_arithmetic3A_600 : i32 to vector<128x1xi32>
    %shift_right_arithmetic3A_602 = arith.shrsi %xor3A_599, %shift_right_arithmetic3A_601 : vector<128x1xi32>
    %add3A_603 = arith.addi %and3A_598, %shift_right_arithmetic3A_602 : vector<128x1xi32>
    %gt3A_604 = vector.broadcast %add3A_603 : vector<128x1xi32> to vector<128x2048xi32>
    %gt3A_605 = arith.cmpi sgt, %select_n3A_561, %gt3A_604 : vector<128x2048xi32>
    %convert_element_type3A_606 = arith.extui %gt3A_605 : vector<128x2048xi1> to vector<128x2048xi32>
    %reduce_sum3A_607 = arith.constant dense<0> : vector<128xi32>
    %reduce_sum3A_608 = vector.multi_reduction <add>, %convert_element_type3A_606, %reduce_sum3A_607 [1] : vector<128x2048xi32> to vector<128xi32>
    %broadcast_in_dim3A_609 = vector.shape_cast %reduce_sum3A_608 : vector<128xi32> to vector<128x1xi32>
    %ge3A_610 = arith.constant 32 : i32
    %ge3A_611 = vector.broadcast %ge3A_610 : i32 to vector<128x1xi32>
    %ge3A_612 = arith.cmpi sge, %broadcast_in_dim3A_609, %ge3A_611 : vector<128x1xi32>
    %select_n3A_613 = arith.select %ge3A_612, %add3A_603, %select_n3A_596 : vector<128x1xi1>, vector<128x1xi32>
    %select_n3A_614 = arith.select %ge3A_612, %select_n3A_597, %add3A_603 : vector<128x1xi1>, vector<128x1xi32>
    %and3A_615 = arith.andi %select_n3A_613, %select_n3A_614 : vector<128x1xi32>
    %xor3A_616 = arith.xori %select_n3A_613, %select_n3A_614 : vector<128x1xi32>
    %shift_right_arithmetic3A_617 = arith.constant 1 : i32
    %shift_right_arithmetic3A_618 = vector.broadcast %shift_right_arithmetic3A_617 : i32 to vector<128x1xi32>
    %shift_right_arithmetic3A_619 = arith.shrsi %xor3A_616, %shift_right_arithmetic3A_618 : vector<128x1xi32>
    %add3A_620 = arith.addi %and3A_615, %shift_right_arithmetic3A_619 : vector<128x1xi32>
    %gt3A_621 = vector.broadcast %add3A_620 : vector<128x1xi32> to vector<128x2048xi32>
    %gt3A_622 = arith.cmpi sgt, %select_n3A_561, %gt3A_621 : vector<128x2048xi32>
    %convert_element_type3A_623 = arith.extui %gt3A_622 : vector<128x2048xi1> to vector<128x2048xi32>
    %reduce_sum3A_624 = arith.constant dense<0> : vector<128xi32>
    %reduce_sum3A_625 = vector.multi_reduction <add>, %convert_element_type3A_623, %reduce_sum3A_624 [1] : vector<128x2048xi32> to vector<128xi32>
    %broadcast_in_dim3A_626 = vector.shape_cast %reduce_sum3A_625 : vector<128xi32> to vector<128x1xi32>
    %ge3A_627 = arith.constant 32 : i32
    %ge3A_628 = vector.broadcast %ge3A_627 : i32 to vector<128x1xi32>
    %ge3A_629 = arith.cmpi sge, %broadcast_in_dim3A_626, %ge3A_628 : vector<128x1xi32>
    %select_n3A_630 = arith.select %ge3A_629, %add3A_620, %select_n3A_613 : vector<128x1xi1>, vector<128x1xi32>
    %select_n3A_631 = arith.select %ge3A_629, %select_n3A_614, %add3A_620 : vector<128x1xi1>, vector<128x1xi32>
    %and3A_632 = arith.andi %select_n3A_630, %select_n3A_631 : vector<128x1xi32>
    %xor3A_633 = arith.xori %select_n3A_630, %select_n3A_631 : vector<128x1xi32>
    %shift_right_arithmetic3A_634 = arith.constant 1 : i32
    %shift_right_arithmetic3A_635 = vector.broadcast %shift_right_arithmetic3A_634 : i32 to vector<128x1xi32>
    %shift_right_arithmetic3A_636 = arith.shrsi %xor3A_633, %shift_right_arithmetic3A_635 : vector<128x1xi32>
    %add3A_637 = arith.addi %and3A_632, %shift_right_arithmetic3A_636 : vector<128x1xi32>
    %gt3A_638 = vector.broadcast %add3A_637 : vector<128x1xi32> to vector<128x2048xi32>
    %gt3A_639 = arith.cmpi sgt, %select_n3A_561, %gt3A_638 : vector<128x2048xi32>
    %convert_element_type3A_640 = arith.extui %gt3A_639 : vector<128x2048xi1> to vector<128x2048xi32>
    %reduce_sum3A_641 = arith.constant dense<0> : vector<128xi32>
    %reduce_sum3A_642 = vector.multi_reduction <add>, %convert_element_type3A_640, %reduce_sum3A_641 [1] : vector<128x2048xi32> to vector<128xi32>
    %broadcast_in_dim3A_643 = vector.shape_cast %reduce_sum3A_642 : vector<128xi32> to vector<128x1xi32>
    %ge3A_644 = arith.constant 32 : i32
    %ge3A_645 = vector.broadcast %ge3A_644 : i32 to vector<128x1xi32>
    %ge3A_646 = arith.cmpi sge, %broadcast_in_dim3A_643, %ge3A_645 : vector<128x1xi32>
    %select_n3A_647 = arith.select %ge3A_646, %add3A_637, %select_n3A_630 : vector<128x1xi1>, vector<128x1xi32>
    %select_n3A_648 = arith.select %ge3A_646, %select_n3A_631, %add3A_637 : vector<128x1xi1>, vector<128x1xi32>
    %and3A_649 = arith.andi %select_n3A_647, %select_n3A_648 : vector<128x1xi32>
    %xor3A_650 = arith.xori %select_n3A_647, %select_n3A_648 : vector<128x1xi32>
    %shift_right_arithmetic3A_651 = arith.constant 1 : i32
    %shift_right_arithmetic3A_652 = vector.broadcast %shift_right_arithmetic3A_651 : i32 to vector<128x1xi32>
    %shift_right_arithmetic3A_653 = arith.shrsi %xor3A_650, %shift_right_arithmetic3A_652 : vector<128x1xi32>
    %add3A_654 = arith.addi %and3A_649, %shift_right_arithmetic3A_653 : vector<128x1xi32>
    %gt3A_655 = vector.broadcast %add3A_654 : vector<128x1xi32> to vector<128x2048xi32>
    %gt3A_656 = arith.cmpi sgt, %select_n3A_561, %gt3A_655 : vector<128x2048xi32>
    %convert_element_type3A_657 = arith.extui %gt3A_656 : vector<128x2048xi1> to vector<128x2048xi32>
    %reduce_sum3A_658 = arith.constant dense<0> : vector<128xi32>
    %reduce_sum3A_659 = vector.multi_reduction <add>, %convert_element_type3A_657, %reduce_sum3A_658 [1] : vector<128x2048xi32> to vector<128xi32>
    %broadcast_in_dim3A_660 = vector.shape_cast %reduce_sum3A_659 : vector<128xi32> to vector<128x1xi32>
    %ge3A_661 = arith.constant 32 : i32
    %ge3A_662 = vector.broadcast %ge3A_661 : i32 to vector<128x1xi32>
    %ge3A_663 = arith.cmpi sge, %broadcast_in_dim3A_660, %ge3A_662 : vector<128x1xi32>
    %select_n3A_664 = arith.select %ge3A_663, %add3A_654, %select_n3A_647 : vector<128x1xi1>, vector<128x1xi32>
    %select_n3A_665 = arith.select %ge3A_663, %select_n3A_648, %add3A_654 : vector<128x1xi1>, vector<128x1xi32>
    %and3A_666 = arith.andi %select_n3A_664, %select_n3A_665 : vector<128x1xi32>
    %xor3A_667 = arith.xori %select_n3A_664, %select_n3A_665 : vector<128x1xi32>
    %shift_right_arithmetic3A_668 = arith.constant 1 : i32
    %shift_right_arithmetic3A_669 = vector.broadcast %shift_right_arithmetic3A_668 : i32 to vector<128x1xi32>
    %shift_right_arithmetic3A_670 = arith.shrsi %xor3A_667, %shift_right_arithmetic3A_669 : vector<128x1xi32>
    %add3A_671 = arith.addi %and3A_666, %shift_right_arithmetic3A_670 : vector<128x1xi32>
    %gt3A_672 = vector.broadcast %add3A_671 : vector<128x1xi32> to vector<128x2048xi32>
    %gt3A_673 = arith.cmpi sgt, %select_n3A_561, %gt3A_672 : vector<128x2048xi32>
    %convert_element_type3A_674 = arith.extui %gt3A_673 : vector<128x2048xi1> to vector<128x2048xi32>
    %reduce_sum3A_675 = arith.constant dense<0> : vector<128xi32>
    %reduce_sum3A_676 = vector.multi_reduction <add>, %convert_element_type3A_674, %reduce_sum3A_675 [1] : vector<128x2048xi32> to vector<128xi32>
    %broadcast_in_dim3A_677 = vector.shape_cast %reduce_sum3A_676 : vector<128xi32> to vector<128x1xi32>
    %ge3A_678 = arith.constant 32 : i32
    %ge3A_679 = vector.broadcast %ge3A_678 : i32 to vector<128x1xi32>
    %ge3A_680 = arith.cmpi sge, %broadcast_in_dim3A_677, %ge3A_679 : vector<128x1xi32>
    %select_n3A_681 = arith.select %ge3A_680, %add3A_671, %select_n3A_664 : vector<128x1xi1>, vector<128x1xi32>
    %select_n3A_682 = arith.select %ge3A_680, %select_n3A_665, %add3A_671 : vector<128x1xi1>, vector<128x1xi32>
    %and3A_683 = arith.andi %select_n3A_681, %select_n3A_682 : vector<128x1xi32>
    %xor3A_684 = arith.xori %select_n3A_681, %select_n3A_682 : vector<128x1xi32>
    %shift_right_arithmetic3A_685 = arith.constant 1 : i32
    %shift_right_arithmetic3A_686 = vector.broadcast %shift_right_arithmetic3A_685 : i32 to vector<128x1xi32>
    %shift_right_arithmetic3A_687 = arith.shrsi %xor3A_684, %shift_right_arithmetic3A_686 : vector<128x1xi32>
    %add3A_688 = arith.addi %and3A_683, %shift_right_arithmetic3A_687 : vector<128x1xi32>
    %gt3A_689 = vector.broadcast %add3A_688 : vector<128x1xi32> to vector<128x2048xi32>
    %gt3A_690 = arith.cmpi sgt, %select_n3A_561, %gt3A_689 : vector<128x2048xi32>
    %convert_element_type3A_691 = arith.extui %gt3A_690 : vector<128x2048xi1> to vector<128x2048xi32>
    %reduce_sum3A_692 = arith.constant dense<0> : vector<128xi32>
    %reduce_sum3A_693 = vector.multi_reduction <add>, %convert_element_type3A_691, %reduce_sum3A_692 [1] : vector<128x2048xi32> to vector<128xi32>
    %broadcast_in_dim3A_694 = vector.shape_cast %reduce_sum3A_693 : vector<128xi32> to vector<128x1xi32>
    %ge3A_695 = arith.constant 32 : i32
    %ge3A_696 = vector.broadcast %ge3A_695 : i32 to vector<128x1xi32>
    %ge3A_697 = arith.cmpi sge, %broadcast_in_dim3A_694, %ge3A_696 : vector<128x1xi32>
    %select_n3A_698 = arith.select %ge3A_697, %add3A_688, %select_n3A_681 : vector<128x1xi1>, vector<128x1xi32>
    %select_n3A_699 = arith.select %ge3A_697, %select_n3A_682, %add3A_688 : vector<128x1xi1>, vector<128x1xi32>
    %and3A_700 = arith.andi %select_n3A_698, %select_n3A_699 : vector<128x1xi32>
    %xor3A_701 = arith.xori %select_n3A_698, %select_n3A_699 : vector<128x1xi32>
    %shift_right_arithmetic3A_702 = arith.constant 1 : i32
    %shift_right_arithmetic3A_703 = vector.broadcast %shift_right_arithmetic3A_702 : i32 to vector<128x1xi32>
    %shift_right_arithmetic3A_704 = arith.shrsi %xor3A_701, %shift_right_arithmetic3A_703 : vector<128x1xi32>
    %add3A_705 = arith.addi %and3A_700, %shift_right_arithmetic3A_704 : vector<128x1xi32>
    %gt3A_706 = vector.broadcast %add3A_705 : vector<128x1xi32> to vector<128x2048xi32>
    %gt3A_707 = arith.cmpi sgt, %select_n3A_561, %gt3A_706 : vector<128x2048xi32>
    %convert_element_type3A_708 = arith.extui %gt3A_707 : vector<128x2048xi1> to vector<128x2048xi32>
    %reduce_sum3A_709 = arith.constant dense<0> : vector<128xi32>
    %reduce_sum3A_710 = vector.multi_reduction <add>, %convert_element_type3A_708, %reduce_sum3A_709 [1] : vector<128x2048xi32> to vector<128xi32>
    %broadcast_in_dim3A_711 = vector.shape_cast %reduce_sum3A_710 : vector<128xi32> to vector<128x1xi32>
    %ge3A_712 = arith.constant 32 : i32
    %ge3A_713 = vector.broadcast %ge3A_712 : i32 to vector<128x1xi32>
    %ge3A_714 = arith.cmpi sge, %broadcast_in_dim3A_711, %ge3A_713 : vector<128x1xi32>
    %select_n3A_715 = arith.select %ge3A_714, %add3A_705, %select_n3A_698 : vector<128x1xi1>, vector<128x1xi32>
    %select_n3A_716 = arith.select %ge3A_714, %select_n3A_699, %add3A_705 : vector<128x1xi1>, vector<128x1xi32>
    %and3A_717 = arith.andi %select_n3A_715, %select_n3A_716 : vector<128x1xi32>
    %xor3A_718 = arith.xori %select_n3A_715, %select_n3A_716 : vector<128x1xi32>
    %shift_right_arithmetic3A_719 = arith.constant 1 : i32
    %shift_right_arithmetic3A_720 = vector.broadcast %shift_right_arithmetic3A_719 : i32 to vector<128x1xi32>
    %shift_right_arithmetic3A_721 = arith.shrsi %xor3A_718, %shift_right_arithmetic3A_720 : vector<128x1xi32>
    %add3A_722 = arith.addi %and3A_717, %shift_right_arithmetic3A_721 : vector<128x1xi32>
    %gt3A_723 = vector.broadcast %add3A_722 : vector<128x1xi32> to vector<128x2048xi32>
    %gt3A_724 = arith.cmpi sgt, %select_n3A_561, %gt3A_723 : vector<128x2048xi32>
    %convert_element_type3A_725 = arith.extui %gt3A_724 : vector<128x2048xi1> to vector<128x2048xi32>
    %reduce_sum3A_726 = arith.constant dense<0> : vector<128xi32>
    %reduce_sum3A_727 = vector.multi_reduction <add>, %convert_element_type3A_725, %reduce_sum3A_726 [1] : vector<128x2048xi32> to vector<128xi32>
    %broadcast_in_dim3A_728 = vector.shape_cast %reduce_sum3A_727 : vector<128xi32> to vector<128x1xi32>
    %ge3A_729 = arith.constant 32 : i32
    %ge3A_730 = vector.broadcast %ge3A_729 : i32 to vector<128x1xi32>
    %ge3A_731 = arith.cmpi sge, %broadcast_in_dim3A_728, %ge3A_730 : vector<128x1xi32>
    %select_n3A_732 = arith.select %ge3A_731, %add3A_722, %select_n3A_715 : vector<128x1xi1>, vector<128x1xi32>
    %select_n3A_733 = arith.select %ge3A_731, %select_n3A_716, %add3A_722 : vector<128x1xi1>, vector<128x1xi32>
    %and3A_734 = arith.andi %select_n3A_732, %select_n3A_733 : vector<128x1xi32>
    %xor3A_735 = arith.xori %select_n3A_732, %select_n3A_733 : vector<128x1xi32>
    %shift_right_arithmetic3A_736 = arith.constant 1 : i32
    %shift_right_arithmetic3A_737 = vector.broadcast %shift_right_arithmetic3A_736 : i32 to vector<128x1xi32>
    %shift_right_arithmetic3A_738 = arith.shrsi %xor3A_735, %shift_right_arithmetic3A_737 : vector<128x1xi32>
    %add3A_739 = arith.addi %and3A_734, %shift_right_arithmetic3A_738 : vector<128x1xi32>
    %gt3A_740 = vector.broadcast %add3A_739 : vector<128x1xi32> to vector<128x2048xi32>
    %gt3A_741 = arith.cmpi sgt, %select_n3A_561, %gt3A_740 : vector<128x2048xi32>
    %convert_element_type3A_742 = arith.extui %gt3A_741 : vector<128x2048xi1> to vector<128x2048xi32>
    %reduce_sum3A_743 = arith.constant dense<0> : vector<128xi32>
    %reduce_sum3A_744 = vector.multi_reduction <add>, %convert_element_type3A_742, %reduce_sum3A_743 [1] : vector<128x2048xi32> to vector<128xi32>
    %broadcast_in_dim3A_745 = vector.shape_cast %reduce_sum3A_744 : vector<128xi32> to vector<128x1xi32>
    %ge3A_746 = arith.constant 32 : i32
    %ge3A_747 = vector.broadcast %ge3A_746 : i32 to vector<128x1xi32>
    %ge3A_748 = arith.cmpi sge, %broadcast_in_dim3A_745, %ge3A_747 : vector<128x1xi32>
    %select_n3A_749 = arith.select %ge3A_748, %add3A_739, %select_n3A_732 : vector<128x1xi1>, vector<128x1xi32>
    %select_n3A_750 = arith.select %ge3A_748, %select_n3A_733, %add3A_739 : vector<128x1xi1>, vector<128x1xi32>
    %and3A_751 = arith.andi %select_n3A_749, %select_n3A_750 : vector<128x1xi32>
    %xor3A_752 = arith.xori %select_n3A_749, %select_n3A_750 : vector<128x1xi32>
    %shift_right_arithmetic3A_753 = arith.constant 1 : i32
    %shift_right_arithmetic3A_754 = vector.broadcast %shift_right_arithmetic3A_753 : i32 to vector<128x1xi32>
    %shift_right_arithmetic3A_755 = arith.shrsi %xor3A_752, %shift_right_arithmetic3A_754 : vector<128x1xi32>
    %add3A_756 = arith.addi %and3A_751, %shift_right_arithmetic3A_755 : vector<128x1xi32>
    %gt3A_757 = vector.broadcast %add3A_756 : vector<128x1xi32> to vector<128x2048xi32>
    %gt3A_758 = arith.cmpi sgt, %select_n3A_561, %gt3A_757 : vector<128x2048xi32>
    %convert_element_type3A_759 = arith.extui %gt3A_758 : vector<128x2048xi1> to vector<128x2048xi32>
    %reduce_sum3A_760 = arith.constant dense<0> : vector<128xi32>
    %reduce_sum3A_761 = vector.multi_reduction <add>, %convert_element_type3A_759, %reduce_sum3A_760 [1] : vector<128x2048xi32> to vector<128xi32>
    %broadcast_in_dim3A_762 = vector.shape_cast %reduce_sum3A_761 : vector<128xi32> to vector<128x1xi32>
    %ge3A_763 = arith.constant 32 : i32
    %ge3A_764 = vector.broadcast %ge3A_763 : i32 to vector<128x1xi32>
    %ge3A_765 = arith.cmpi sge, %broadcast_in_dim3A_762, %ge3A_764 : vector<128x1xi32>
    %select_n3A_766 = arith.select %ge3A_765, %add3A_756, %select_n3A_749 : vector<128x1xi1>, vector<128x1xi32>
    %select_n3A_767 = arith.select %ge3A_765, %select_n3A_750, %add3A_756 : vector<128x1xi1>, vector<128x1xi32>
    %and3A_768 = arith.andi %select_n3A_766, %select_n3A_767 : vector<128x1xi32>
    %xor3A_769 = arith.xori %select_n3A_766, %select_n3A_767 : vector<128x1xi32>
    %shift_right_arithmetic3A_770 = arith.constant 1 : i32
    %shift_right_arithmetic3A_771 = vector.broadcast %shift_right_arithmetic3A_770 : i32 to vector<128x1xi32>
    %shift_right_arithmetic3A_772 = arith.shrsi %xor3A_769, %shift_right_arithmetic3A_771 : vector<128x1xi32>
    %add3A_773 = arith.addi %and3A_768, %shift_right_arithmetic3A_772 : vector<128x1xi32>
    %gt3A_774 = vector.broadcast %add3A_773 : vector<128x1xi32> to vector<128x2048xi32>
    %gt3A_775 = arith.cmpi sgt, %select_n3A_561, %gt3A_774 : vector<128x2048xi32>
    %convert_element_type3A_776 = arith.extui %gt3A_775 : vector<128x2048xi1> to vector<128x2048xi32>
    %reduce_sum3A_777 = arith.constant dense<0> : vector<128xi32>
    %reduce_sum3A_778 = vector.multi_reduction <add>, %convert_element_type3A_776, %reduce_sum3A_777 [1] : vector<128x2048xi32> to vector<128xi32>
    %broadcast_in_dim3A_779 = vector.shape_cast %reduce_sum3A_778 : vector<128xi32> to vector<128x1xi32>
    %ge3A_780 = arith.constant 32 : i32
    %ge3A_781 = vector.broadcast %ge3A_780 : i32 to vector<128x1xi32>
    %ge3A_782 = arith.cmpi sge, %broadcast_in_dim3A_779, %ge3A_781 : vector<128x1xi32>
    %select_n3A_783 = arith.select %ge3A_782, %add3A_773, %select_n3A_766 : vector<128x1xi1>, vector<128x1xi32>
    %select_n3A_784 = arith.select %ge3A_782, %select_n3A_767, %add3A_773 : vector<128x1xi1>, vector<128x1xi32>
    %and3A_785 = arith.andi %select_n3A_783, %select_n3A_784 : vector<128x1xi32>
    %xor3A_786 = arith.xori %select_n3A_783, %select_n3A_784 : vector<128x1xi32>
    %shift_right_arithmetic3A_787 = arith.constant 1 : i32
    %shift_right_arithmetic3A_788 = vector.broadcast %shift_right_arithmetic3A_787 : i32 to vector<128x1xi32>
    %shift_right_arithmetic3A_789 = arith.shrsi %xor3A_786, %shift_right_arithmetic3A_788 : vector<128x1xi32>
    %add3A_790 = arith.addi %and3A_785, %shift_right_arithmetic3A_789 : vector<128x1xi32>
    %gt3A_791 = vector.broadcast %add3A_790 : vector<128x1xi32> to vector<128x2048xi32>
    %gt3A_792 = arith.cmpi sgt, %select_n3A_561, %gt3A_791 : vector<128x2048xi32>
    %convert_element_type3A_793 = arith.extui %gt3A_792 : vector<128x2048xi1> to vector<128x2048xi32>
    %reduce_sum3A_794 = arith.constant dense<0> : vector<128xi32>
    %reduce_sum3A_795 = vector.multi_reduction <add>, %convert_element_type3A_793, %reduce_sum3A_794 [1] : vector<128x2048xi32> to vector<128xi32>
    %broadcast_in_dim3A_796 = vector.shape_cast %reduce_sum3A_795 : vector<128xi32> to vector<128x1xi32>
    %ge3A_797 = arith.constant 32 : i32
    %ge3A_798 = vector.broadcast %ge3A_797 : i32 to vector<128x1xi32>
    %ge3A_799 = arith.cmpi sge, %broadcast_in_dim3A_796, %ge3A_798 : vector<128x1xi32>
    %select_n3A_800 = arith.select %ge3A_799, %add3A_790, %select_n3A_783 : vector<128x1xi1>, vector<128x1xi32>
    %select_n3A_801 = arith.select %ge3A_799, %select_n3A_784, %add3A_790 : vector<128x1xi1>, vector<128x1xi32>
    %and3A_802 = arith.andi %select_n3A_800, %select_n3A_801 : vector<128x1xi32>
    %xor3A_803 = arith.xori %select_n3A_800, %select_n3A_801 : vector<128x1xi32>
    %shift_right_arithmetic3A_804 = arith.constant 1 : i32
    %shift_right_arithmetic3A_805 = vector.broadcast %shift_right_arithmetic3A_804 : i32 to vector<128x1xi32>
    %shift_right_arithmetic3A_806 = arith.shrsi %xor3A_803, %shift_right_arithmetic3A_805 : vector<128x1xi32>
    %add3A_807 = arith.addi %and3A_802, %shift_right_arithmetic3A_806 : vector<128x1xi32>
    %gt3A_808 = vector.broadcast %add3A_807 : vector<128x1xi32> to vector<128x2048xi32>
    %gt3A_809 = arith.cmpi sgt, %select_n3A_561, %gt3A_808 : vector<128x2048xi32>
    %convert_element_type3A_810 = arith.extui %gt3A_809 : vector<128x2048xi1> to vector<128x2048xi32>
    %reduce_sum3A_811 = arith.constant dense<0> : vector<128xi32>
    %reduce_sum3A_812 = vector.multi_reduction <add>, %convert_element_type3A_810, %reduce_sum3A_811 [1] : vector<128x2048xi32> to vector<128xi32>
    %broadcast_in_dim3A_813 = vector.shape_cast %reduce_sum3A_812 : vector<128xi32> to vector<128x1xi32>
    %ge3A_814 = arith.constant 32 : i32
    %ge3A_815 = vector.broadcast %ge3A_814 : i32 to vector<128x1xi32>
    %ge3A_816 = arith.cmpi sge, %broadcast_in_dim3A_813, %ge3A_815 : vector<128x1xi32>
    %select_n3A_817 = arith.select %ge3A_816, %add3A_807, %select_n3A_800 : vector<128x1xi1>, vector<128x1xi32>
    %select_n3A_818 = arith.select %ge3A_816, %select_n3A_801, %add3A_807 : vector<128x1xi1>, vector<128x1xi32>
    %and3A_819 = arith.andi %select_n3A_817, %select_n3A_818 : vector<128x1xi32>
    %xor3A_820 = arith.xori %select_n3A_817, %select_n3A_818 : vector<128x1xi32>
    %shift_right_arithmetic3A_821 = arith.constant 1 : i32
    %shift_right_arithmetic3A_822 = vector.broadcast %shift_right_arithmetic3A_821 : i32 to vector<128x1xi32>
    %shift_right_arithmetic3A_823 = arith.shrsi %xor3A_820, %shift_right_arithmetic3A_822 : vector<128x1xi32>
    %add3A_824 = arith.addi %and3A_819, %shift_right_arithmetic3A_823 : vector<128x1xi32>
    %gt3A_825 = vector.broadcast %add3A_824 : vector<128x1xi32> to vector<128x2048xi32>
    %gt3A_826 = arith.cmpi sgt, %select_n3A_561, %gt3A_825 : vector<128x2048xi32>
    %convert_element_type3A_827 = arith.extui %gt3A_826 : vector<128x2048xi1> to vector<128x2048xi32>
    %reduce_sum3A_828 = arith.constant dense<0> : vector<128xi32>
    %reduce_sum3A_829 = vector.multi_reduction <add>, %convert_element_type3A_827, %reduce_sum3A_828 [1] : vector<128x2048xi32> to vector<128xi32>
    %broadcast_in_dim3A_830 = vector.shape_cast %reduce_sum3A_829 : vector<128xi32> to vector<128x1xi32>
    %ge3A_831 = arith.constant 32 : i32
    %ge3A_832 = vector.broadcast %ge3A_831 : i32 to vector<128x1xi32>
    %ge3A_833 = arith.cmpi sge, %broadcast_in_dim3A_830, %ge3A_832 : vector<128x1xi32>
    %select_n3A_834 = arith.select %ge3A_833, %add3A_824, %select_n3A_817 : vector<128x1xi1>, vector<128x1xi32>
    %select_n3A_835 = arith.select %ge3A_833, %select_n3A_818, %add3A_824 : vector<128x1xi1>, vector<128x1xi32>
    %and3A_836 = arith.andi %select_n3A_834, %select_n3A_835 : vector<128x1xi32>
    %xor3A_837 = arith.xori %select_n3A_834, %select_n3A_835 : vector<128x1xi32>
    %shift_right_arithmetic3A_838 = arith.constant 1 : i32
    %shift_right_arithmetic3A_839 = vector.broadcast %shift_right_arithmetic3A_838 : i32 to vector<128x1xi32>
    %shift_right_arithmetic3A_840 = arith.shrsi %xor3A_837, %shift_right_arithmetic3A_839 : vector<128x1xi32>
    %add3A_841 = arith.addi %and3A_836, %shift_right_arithmetic3A_840 : vector<128x1xi32>
    %gt3A_842 = vector.broadcast %add3A_841 : vector<128x1xi32> to vector<128x2048xi32>
    %gt3A_843 = arith.cmpi sgt, %select_n3A_561, %gt3A_842 : vector<128x2048xi32>
    %convert_element_type3A_844 = arith.extui %gt3A_843 : vector<128x2048xi1> to vector<128x2048xi32>
    %reduce_sum3A_845 = arith.constant dense<0> : vector<128xi32>
    %reduce_sum3A_846 = vector.multi_reduction <add>, %convert_element_type3A_844, %reduce_sum3A_845 [1] : vector<128x2048xi32> to vector<128xi32>
    %broadcast_in_dim3A_847 = vector.shape_cast %reduce_sum3A_846 : vector<128xi32> to vector<128x1xi32>
    %ge3A_848 = arith.constant 32 : i32
    %ge3A_849 = vector.broadcast %ge3A_848 : i32 to vector<128x1xi32>
    %ge3A_850 = arith.cmpi sge, %broadcast_in_dim3A_847, %ge3A_849 : vector<128x1xi32>
    %select_n3A_851 = arith.select %ge3A_850, %add3A_841, %select_n3A_834 : vector<128x1xi1>, vector<128x1xi32>
    %select_n3A_852 = arith.select %ge3A_850, %select_n3A_835, %add3A_841 : vector<128x1xi1>, vector<128x1xi32>
    %and3A_853 = arith.andi %select_n3A_851, %select_n3A_852 : vector<128x1xi32>
    %xor3A_854 = arith.xori %select_n3A_851, %select_n3A_852 : vector<128x1xi32>
    %shift_right_arithmetic3A_855 = arith.constant 1 : i32
    %shift_right_arithmetic3A_856 = vector.broadcast %shift_right_arithmetic3A_855 : i32 to vector<128x1xi32>
    %shift_right_arithmetic3A_857 = arith.shrsi %xor3A_854, %shift_right_arithmetic3A_856 : vector<128x1xi32>
    %add3A_858 = arith.addi %and3A_853, %shift_right_arithmetic3A_857 : vector<128x1xi32>
    %gt3A_859 = vector.broadcast %add3A_858 : vector<128x1xi32> to vector<128x2048xi32>
    %gt3A_860 = arith.cmpi sgt, %select_n3A_561, %gt3A_859 : vector<128x2048xi32>
    %convert_element_type3A_861 = arith.extui %gt3A_860 : vector<128x2048xi1> to vector<128x2048xi32>
    %reduce_sum3A_862 = arith.constant dense<0> : vector<128xi32>
    %reduce_sum3A_863 = vector.multi_reduction <add>, %convert_element_type3A_861, %reduce_sum3A_862 [1] : vector<128x2048xi32> to vector<128xi32>
    %broadcast_in_dim3A_864 = vector.shape_cast %reduce_sum3A_863 : vector<128xi32> to vector<128x1xi32>
    %ge3A_865 = arith.constant 32 : i32
    %ge3A_866 = vector.broadcast %ge3A_865 : i32 to vector<128x1xi32>
    %ge3A_867 = arith.cmpi sge, %broadcast_in_dim3A_864, %ge3A_866 : vector<128x1xi32>
    %select_n3A_868 = arith.select %ge3A_867, %add3A_858, %select_n3A_851 : vector<128x1xi1>, vector<128x1xi32>
    %select_n3A_869 = arith.select %ge3A_867, %select_n3A_852, %add3A_858 : vector<128x1xi1>, vector<128x1xi32>
    %and3A_870 = arith.andi %select_n3A_868, %select_n3A_869 : vector<128x1xi32>
    %xor3A_871 = arith.xori %select_n3A_868, %select_n3A_869 : vector<128x1xi32>
    %shift_right_arithmetic3A_872 = arith.constant 1 : i32
    %shift_right_arithmetic3A_873 = vector.broadcast %shift_right_arithmetic3A_872 : i32 to vector<128x1xi32>
    %shift_right_arithmetic3A_874 = arith.shrsi %xor3A_871, %shift_right_arithmetic3A_873 : vector<128x1xi32>
    %add3A_875 = arith.addi %and3A_870, %shift_right_arithmetic3A_874 : vector<128x1xi32>
    %gt3A_876 = vector.broadcast %add3A_875 : vector<128x1xi32> to vector<128x2048xi32>
    %gt3A_877 = arith.cmpi sgt, %select_n3A_561, %gt3A_876 : vector<128x2048xi32>
    %convert_element_type3A_878 = arith.extui %gt3A_877 : vector<128x2048xi1> to vector<128x2048xi32>
    %reduce_sum3A_879 = arith.constant dense<0> : vector<128xi32>
    %reduce_sum3A_880 = vector.multi_reduction <add>, %convert_element_type3A_878, %reduce_sum3A_879 [1] : vector<128x2048xi32> to vector<128xi32>
    %broadcast_in_dim3A_881 = vector.shape_cast %reduce_sum3A_880 : vector<128xi32> to vector<128x1xi32>
    %ge3A_882 = arith.constant 32 : i32
    %ge3A_883 = vector.broadcast %ge3A_882 : i32 to vector<128x1xi32>
    %ge3A_884 = arith.cmpi sge, %broadcast_in_dim3A_881, %ge3A_883 : vector<128x1xi32>
    %select_n3A_885 = arith.select %ge3A_884, %add3A_875, %select_n3A_868 : vector<128x1xi1>, vector<128x1xi32>
    %select_n3A_886 = arith.select %ge3A_884, %select_n3A_869, %add3A_875 : vector<128x1xi1>, vector<128x1xi32>
    %and3A_887 = arith.andi %select_n3A_885, %select_n3A_886 : vector<128x1xi32>
    %xor3A_888 = arith.xori %select_n3A_885, %select_n3A_886 : vector<128x1xi32>
    %shift_right_arithmetic3A_889 = arith.constant 1 : i32
    %shift_right_arithmetic3A_890 = vector.broadcast %shift_right_arithmetic3A_889 : i32 to vector<128x1xi32>
    %shift_right_arithmetic3A_891 = arith.shrsi %xor3A_888, %shift_right_arithmetic3A_890 : vector<128x1xi32>
    %add3A_892 = arith.addi %and3A_887, %shift_right_arithmetic3A_891 : vector<128x1xi32>
    %gt3A_893 = vector.broadcast %add3A_892 : vector<128x1xi32> to vector<128x2048xi32>
    %gt3A_894 = arith.cmpi sgt, %select_n3A_561, %gt3A_893 : vector<128x2048xi32>
    %convert_element_type3A_895 = arith.extui %gt3A_894 : vector<128x2048xi1> to vector<128x2048xi32>
    %reduce_sum3A_896 = arith.constant dense<0> : vector<128xi32>
    %reduce_sum3A_897 = vector.multi_reduction <add>, %convert_element_type3A_895, %reduce_sum3A_896 [1] : vector<128x2048xi32> to vector<128xi32>
    %broadcast_in_dim3A_898 = vector.shape_cast %reduce_sum3A_897 : vector<128xi32> to vector<128x1xi32>
    %ge3A_899 = arith.constant 32 : i32
    %ge3A_900 = vector.broadcast %ge3A_899 : i32 to vector<128x1xi32>
    %ge3A_901 = arith.cmpi sge, %broadcast_in_dim3A_898, %ge3A_900 : vector<128x1xi32>
    %select_n3A_902 = arith.select %ge3A_901, %add3A_892, %select_n3A_885 : vector<128x1xi1>, vector<128x1xi32>
    %select_n3A_903 = arith.select %ge3A_901, %select_n3A_886, %add3A_892 : vector<128x1xi1>, vector<128x1xi32>
    %and3A_904 = arith.andi %select_n3A_902, %select_n3A_903 : vector<128x1xi32>
    %xor3A_905 = arith.xori %select_n3A_902, %select_n3A_903 : vector<128x1xi32>
    %shift_right_arithmetic3A_906 = arith.constant 1 : i32
    %shift_right_arithmetic3A_907 = vector.broadcast %shift_right_arithmetic3A_906 : i32 to vector<128x1xi32>
    %shift_right_arithmetic3A_908 = arith.shrsi %xor3A_905, %shift_right_arithmetic3A_907 : vector<128x1xi32>
    %add3A_909 = arith.addi %and3A_904, %shift_right_arithmetic3A_908 : vector<128x1xi32>
    %gt3A_910 = vector.broadcast %add3A_909 : vector<128x1xi32> to vector<128x2048xi32>
    %gt3A_911 = arith.cmpi sgt, %select_n3A_561, %gt3A_910 : vector<128x2048xi32>
    %convert_element_type3A_912 = arith.extui %gt3A_911 : vector<128x2048xi1> to vector<128x2048xi32>
    %reduce_sum3A_913 = arith.constant dense<0> : vector<128xi32>
    %reduce_sum3A_914 = vector.multi_reduction <add>, %convert_element_type3A_912, %reduce_sum3A_913 [1] : vector<128x2048xi32> to vector<128xi32>
    %broadcast_in_dim3A_915 = vector.shape_cast %reduce_sum3A_914 : vector<128xi32> to vector<128x1xi32>
    %ge3A_916 = arith.constant 32 : i32
    %ge3A_917 = vector.broadcast %ge3A_916 : i32 to vector<128x1xi32>
    %ge3A_918 = arith.cmpi sge, %broadcast_in_dim3A_915, %ge3A_917 : vector<128x1xi32>
    %select_n3A_919 = arith.select %ge3A_918, %add3A_909, %select_n3A_902 : vector<128x1xi1>, vector<128x1xi32>
    %select_n3A_920 = arith.select %ge3A_918, %select_n3A_903, %add3A_909 : vector<128x1xi1>, vector<128x1xi32>
    %and3A_921 = arith.andi %select_n3A_919, %select_n3A_920 : vector<128x1xi32>
    %xor3A_922 = arith.xori %select_n3A_919, %select_n3A_920 : vector<128x1xi32>
    %shift_right_arithmetic3A_923 = arith.constant 1 : i32
    %shift_right_arithmetic3A_924 = vector.broadcast %shift_right_arithmetic3A_923 : i32 to vector<128x1xi32>
    %shift_right_arithmetic3A_925 = arith.shrsi %xor3A_922, %shift_right_arithmetic3A_924 : vector<128x1xi32>
    %add3A_926 = arith.addi %and3A_921, %shift_right_arithmetic3A_925 : vector<128x1xi32>
    %gt3A_927 = vector.broadcast %add3A_926 : vector<128x1xi32> to vector<128x2048xi32>
    %gt3A_928 = arith.cmpi sgt, %select_n3A_561, %gt3A_927 : vector<128x2048xi32>
    %convert_element_type3A_929 = arith.extui %gt3A_928 : vector<128x2048xi1> to vector<128x2048xi32>
    %reduce_sum3A_930 = arith.constant dense<0> : vector<128xi32>
    %reduce_sum3A_931 = vector.multi_reduction <add>, %convert_element_type3A_929, %reduce_sum3A_930 [1] : vector<128x2048xi32> to vector<128xi32>
    %broadcast_in_dim3A_932 = vector.shape_cast %reduce_sum3A_931 : vector<128xi32> to vector<128x1xi32>
    %ge3A_933 = arith.constant 32 : i32
    %ge3A_934 = vector.broadcast %ge3A_933 : i32 to vector<128x1xi32>
    %ge3A_935 = arith.cmpi sge, %broadcast_in_dim3A_932, %ge3A_934 : vector<128x1xi32>
    %select_n3A_936 = arith.select %ge3A_935, %add3A_926, %select_n3A_919 : vector<128x1xi1>, vector<128x1xi32>
    %select_n3A_937 = arith.select %ge3A_935, %select_n3A_920, %add3A_926 : vector<128x1xi1>, vector<128x1xi32>
    %and3A_938 = arith.andi %select_n3A_936, %select_n3A_937 : vector<128x1xi32>
    %xor3A_939 = arith.xori %select_n3A_936, %select_n3A_937 : vector<128x1xi32>
    %shift_right_arithmetic3A_940 = arith.constant 1 : i32
    %shift_right_arithmetic3A_941 = vector.broadcast %shift_right_arithmetic3A_940 : i32 to vector<128x1xi32>
    %shift_right_arithmetic3A_942 = arith.shrsi %xor3A_939, %shift_right_arithmetic3A_941 : vector<128x1xi32>
    %add3A_943 = arith.addi %and3A_938, %shift_right_arithmetic3A_942 : vector<128x1xi32>
    %gt3A_944 = vector.broadcast %add3A_943 : vector<128x1xi32> to vector<128x2048xi32>
    %gt3A_945 = arith.cmpi sgt, %select_n3A_561, %gt3A_944 : vector<128x2048xi32>
    %convert_element_type3A_946 = arith.extui %gt3A_945 : vector<128x2048xi1> to vector<128x2048xi32>
    %reduce_sum3A_947 = arith.constant dense<0> : vector<128xi32>
    %reduce_sum3A_948 = vector.multi_reduction <add>, %convert_element_type3A_946, %reduce_sum3A_947 [1] : vector<128x2048xi32> to vector<128xi32>
    %broadcast_in_dim3A_949 = vector.shape_cast %reduce_sum3A_948 : vector<128xi32> to vector<128x1xi32>
    %ge3A_950 = arith.constant 32 : i32
    %ge3A_951 = vector.broadcast %ge3A_950 : i32 to vector<128x1xi32>
    %ge3A_952 = arith.cmpi sge, %broadcast_in_dim3A_949, %ge3A_951 : vector<128x1xi32>
    %select_n3A_953 = arith.select %ge3A_952, %add3A_943, %select_n3A_936 : vector<128x1xi1>, vector<128x1xi32>
    %select_n3A_954 = arith.select %ge3A_952, %select_n3A_937, %add3A_943 : vector<128x1xi1>, vector<128x1xi32>
    %and3A_955 = arith.andi %select_n3A_953, %select_n3A_954 : vector<128x1xi32>
    %xor3A_956 = arith.xori %select_n3A_953, %select_n3A_954 : vector<128x1xi32>
    %shift_right_arithmetic3A_957 = arith.constant 1 : i32
    %shift_right_arithmetic3A_958 = vector.broadcast %shift_right_arithmetic3A_957 : i32 to vector<128x1xi32>
    %shift_right_arithmetic3A_959 = arith.shrsi %xor3A_956, %shift_right_arithmetic3A_958 : vector<128x1xi32>
    %add3A_960 = arith.addi %and3A_955, %shift_right_arithmetic3A_959 : vector<128x1xi32>
    %gt3A_961 = vector.broadcast %add3A_960 : vector<128x1xi32> to vector<128x2048xi32>
    %gt3A_962 = arith.cmpi sgt, %select_n3A_561, %gt3A_961 : vector<128x2048xi32>
    %convert_element_type3A_963 = arith.extui %gt3A_962 : vector<128x2048xi1> to vector<128x2048xi32>
    %reduce_sum3A_964 = arith.constant dense<0> : vector<128xi32>
    %reduce_sum3A_965 = vector.multi_reduction <add>, %convert_element_type3A_963, %reduce_sum3A_964 [1] : vector<128x2048xi32> to vector<128xi32>
    %broadcast_in_dim3A_966 = vector.shape_cast %reduce_sum3A_965 : vector<128xi32> to vector<128x1xi32>
    %ge3A_967 = arith.constant 32 : i32
    %ge3A_968 = vector.broadcast %ge3A_967 : i32 to vector<128x1xi32>
    %ge3A_969 = arith.cmpi sge, %broadcast_in_dim3A_966, %ge3A_968 : vector<128x1xi32>
    %select_n3A_970 = arith.select %ge3A_969, %add3A_960, %select_n3A_953 : vector<128x1xi1>, vector<128x1xi32>
    %select_n3A_971 = arith.select %ge3A_969, %select_n3A_954, %add3A_960 : vector<128x1xi1>, vector<128x1xi32>
    %and3A_972 = arith.andi %select_n3A_970, %select_n3A_971 : vector<128x1xi32>
    %xor3A_973 = arith.xori %select_n3A_970, %select_n3A_971 : vector<128x1xi32>
    %shift_right_arithmetic3A_974 = arith.constant 1 : i32
    %shift_right_arithmetic3A_975 = vector.broadcast %shift_right_arithmetic3A_974 : i32 to vector<128x1xi32>
    %shift_right_arithmetic3A_976 = arith.shrsi %xor3A_973, %shift_right_arithmetic3A_975 : vector<128x1xi32>
    %add3A_977 = arith.addi %and3A_972, %shift_right_arithmetic3A_976 : vector<128x1xi32>
    %gt3A_978 = vector.broadcast %add3A_977 : vector<128x1xi32> to vector<128x2048xi32>
    %gt3A_979 = arith.cmpi sgt, %select_n3A_561, %gt3A_978 : vector<128x2048xi32>
    %convert_element_type3A_980 = arith.extui %gt3A_979 : vector<128x2048xi1> to vector<128x2048xi32>
    %reduce_sum3A_981 = arith.constant dense<0> : vector<128xi32>
    %reduce_sum3A_982 = vector.multi_reduction <add>, %convert_element_type3A_980, %reduce_sum3A_981 [1] : vector<128x2048xi32> to vector<128xi32>
    %broadcast_in_dim3A_983 = vector.shape_cast %reduce_sum3A_982 : vector<128xi32> to vector<128x1xi32>
    %ge3A_984 = arith.constant 32 : i32
    %ge3A_985 = vector.broadcast %ge3A_984 : i32 to vector<128x1xi32>
    %ge3A_986 = arith.cmpi sge, %broadcast_in_dim3A_983, %ge3A_985 : vector<128x1xi32>
    %select_n3A_987 = arith.select %ge3A_986, %add3A_977, %select_n3A_970 : vector<128x1xi1>, vector<128x1xi32>
    %select_n3A_988 = arith.select %ge3A_986, %select_n3A_971, %add3A_977 : vector<128x1xi1>, vector<128x1xi32>
    %and3A_989 = arith.andi %select_n3A_987, %select_n3A_988 : vector<128x1xi32>
    %xor3A_990 = arith.xori %select_n3A_987, %select_n3A_988 : vector<128x1xi32>
    %shift_right_arithmetic3A_991 = arith.constant 1 : i32
    %shift_right_arithmetic3A_992 = vector.broadcast %shift_right_arithmetic3A_991 : i32 to vector<128x1xi32>
    %shift_right_arithmetic3A_993 = arith.shrsi %xor3A_990, %shift_right_arithmetic3A_992 : vector<128x1xi32>
    %add3A_994 = arith.addi %and3A_989, %shift_right_arithmetic3A_993 : vector<128x1xi32>
    %gt3A_995 = vector.broadcast %add3A_994 : vector<128x1xi32> to vector<128x2048xi32>
    %gt3A_996 = arith.cmpi sgt, %select_n3A_561, %gt3A_995 : vector<128x2048xi32>
    %convert_element_type3A_997 = arith.extui %gt3A_996 : vector<128x2048xi1> to vector<128x2048xi32>
    %reduce_sum3A_998 = arith.constant dense<0> : vector<128xi32>
    %reduce_sum3A_999 = vector.multi_reduction <add>, %convert_element_type3A_997, %reduce_sum3A_998 [1] : vector<128x2048xi32> to vector<128xi32>
    %broadcast_in_dim3A_1000 = vector.shape_cast %reduce_sum3A_999 : vector<128xi32> to vector<128x1xi32>
    %ge3A_1001 = arith.constant 32 : i32
    %ge3A_1002 = vector.broadcast %ge3A_1001 : i32 to vector<128x1xi32>
    %ge3A_1003 = arith.cmpi sge, %broadcast_in_dim3A_1000, %ge3A_1002 : vector<128x1xi32>
    %select_n3A_1004 = arith.select %ge3A_1003, %add3A_994, %select_n3A_987 : vector<128x1xi1>, vector<128x1xi32>
    %select_n3A_1005 = arith.select %ge3A_1003, %select_n3A_988, %add3A_994 : vector<128x1xi1>, vector<128x1xi32>
    %and3A_1006 = arith.andi %select_n3A_1004, %select_n3A_1005 : vector<128x1xi32>
    %xor3A_1007 = arith.xori %select_n3A_1004, %select_n3A_1005 : vector<128x1xi32>
    %shift_right_arithmetic3A_1008 = arith.constant 1 : i32
    %shift_right_arithmetic3A_1009 = vector.broadcast %shift_right_arithmetic3A_1008 : i32 to vector<128x1xi32>
    %shift_right_arithmetic3A_1010 = arith.shrsi %xor3A_1007, %shift_right_arithmetic3A_1009 : vector<128x1xi32>
    %add3A_1011 = arith.addi %and3A_1006, %shift_right_arithmetic3A_1010 : vector<128x1xi32>
    %gt3A_1012 = vector.broadcast %add3A_1011 : vector<128x1xi32> to vector<128x2048xi32>
    %gt3A_1013 = arith.cmpi sgt, %select_n3A_561, %gt3A_1012 : vector<128x2048xi32>
    %convert_element_type3A_1014 = arith.extui %gt3A_1013 : vector<128x2048xi1> to vector<128x2048xi32>
    %reduce_sum3A_1015 = arith.constant dense<0> : vector<128xi32>
    %reduce_sum3A_1016 = vector.multi_reduction <add>, %convert_element_type3A_1014, %reduce_sum3A_1015 [1] : vector<128x2048xi32> to vector<128xi32>
    %broadcast_in_dim3A_1017 = vector.shape_cast %reduce_sum3A_1016 : vector<128xi32> to vector<128x1xi32>
    %ge3A_1018 = arith.constant 32 : i32
    %ge3A_1019 = vector.broadcast %ge3A_1018 : i32 to vector<128x1xi32>
    %ge3A_1020 = arith.cmpi sge, %broadcast_in_dim3A_1017, %ge3A_1019 : vector<128x1xi32>
    %select_n3A_1021 = arith.select %ge3A_1020, %add3A_1011, %select_n3A_1004 : vector<128x1xi1>, vector<128x1xi32>
    %select_n3A_1022 = arith.select %ge3A_1020, %select_n3A_1005, %add3A_1011 : vector<128x1xi1>, vector<128x1xi32>
    %and3A_1023 = arith.andi %select_n3A_1021, %select_n3A_1022 : vector<128x1xi32>
    %xor3A_1024 = arith.xori %select_n3A_1021, %select_n3A_1022 : vector<128x1xi32>
    %shift_right_arithmetic3A_1025 = arith.constant 1 : i32
    %shift_right_arithmetic3A_1026 = vector.broadcast %shift_right_arithmetic3A_1025 : i32 to vector<128x1xi32>
    %shift_right_arithmetic3A_1027 = arith.shrsi %xor3A_1024, %shift_right_arithmetic3A_1026 : vector<128x1xi32>
    %add3A_1028 = arith.addi %and3A_1023, %shift_right_arithmetic3A_1027 : vector<128x1xi32>
    %gt3A_1029 = vector.broadcast %add3A_1028 : vector<128x1xi32> to vector<128x2048xi32>
    %gt3A_1030 = arith.cmpi sgt, %select_n3A_561, %gt3A_1029 : vector<128x2048xi32>
    %convert_element_type3A_1031 = arith.extui %gt3A_1030 : vector<128x2048xi1> to vector<128x2048xi32>
    %reduce_sum3A_1032 = arith.constant dense<0> : vector<128xi32>
    %reduce_sum3A_1033 = vector.multi_reduction <add>, %convert_element_type3A_1031, %reduce_sum3A_1032 [1] : vector<128x2048xi32> to vector<128xi32>
    %broadcast_in_dim3A_1034 = vector.shape_cast %reduce_sum3A_1033 : vector<128xi32> to vector<128x1xi32>
    %ge3A_1035 = arith.constant 32 : i32
    %ge3A_1036 = vector.broadcast %ge3A_1035 : i32 to vector<128x1xi32>
    %ge3A_1037 = arith.cmpi sge, %broadcast_in_dim3A_1034, %ge3A_1036 : vector<128x1xi32>
    %select_n3A_1038 = arith.select %ge3A_1037, %add3A_1028, %select_n3A_1021 : vector<128x1xi1>, vector<128x1xi32>
    %select_n3A_1039 = arith.select %ge3A_1037, %select_n3A_1022, %add3A_1028 : vector<128x1xi1>, vector<128x1xi32>
    %and3A_1040 = arith.andi %select_n3A_1038, %select_n3A_1039 : vector<128x1xi32>
    %xor3A_1041 = arith.xori %select_n3A_1038, %select_n3A_1039 : vector<128x1xi32>
    %shift_right_arithmetic3A_1042 = arith.constant 1 : i32
    %shift_right_arithmetic3A_1043 = vector.broadcast %shift_right_arithmetic3A_1042 : i32 to vector<128x1xi32>
    %shift_right_arithmetic3A_1044 = arith.shrsi %xor3A_1041, %shift_right_arithmetic3A_1043 : vector<128x1xi32>
    %add3A_1045 = arith.addi %and3A_1040, %shift_right_arithmetic3A_1044 : vector<128x1xi32>
    %gt3A_1046 = vector.broadcast %add3A_1045 : vector<128x1xi32> to vector<128x2048xi32>
    %gt3A_1047 = arith.cmpi sgt, %select_n3A_561, %gt3A_1046 : vector<128x2048xi32>
    %convert_element_type3A_1048 = arith.extui %gt3A_1047 : vector<128x2048xi1> to vector<128x2048xi32>
    %reduce_sum3A_1049 = arith.constant dense<0> : vector<128xi32>
    %reduce_sum3A_1050 = vector.multi_reduction <add>, %convert_element_type3A_1048, %reduce_sum3A_1049 [1] : vector<128x2048xi32> to vector<128xi32>
    %broadcast_in_dim3A_1051 = vector.shape_cast %reduce_sum3A_1050 : vector<128xi32> to vector<128x1xi32>
    %ge3A_1052 = arith.constant 32 : i32
    %ge3A_1053 = vector.broadcast %ge3A_1052 : i32 to vector<128x1xi32>
    %ge3A_1054 = arith.cmpi sge, %broadcast_in_dim3A_1051, %ge3A_1053 : vector<128x1xi32>
    %select_n3A_1055 = arith.select %ge3A_1054, %add3A_1045, %select_n3A_1038 : vector<128x1xi1>, vector<128x1xi32>
    %select_n3A_1056 = arith.select %ge3A_1054, %select_n3A_1039, %add3A_1045 : vector<128x1xi1>, vector<128x1xi32>
    %and3A_1057 = arith.andi %select_n3A_1055, %select_n3A_1056 : vector<128x1xi32>
    %xor3A_1058 = arith.xori %select_n3A_1055, %select_n3A_1056 : vector<128x1xi32>
    %shift_right_arithmetic3A_1059 = arith.constant 1 : i32
    %shift_right_arithmetic3A_1060 = vector.broadcast %shift_right_arithmetic3A_1059 : i32 to vector<128x1xi32>
    %shift_right_arithmetic3A_1061 = arith.shrsi %xor3A_1058, %shift_right_arithmetic3A_1060 : vector<128x1xi32>
    %add3A_1062 = arith.addi %and3A_1057, %shift_right_arithmetic3A_1061 : vector<128x1xi32>
    %gt3A_1063 = vector.broadcast %add3A_1062 : vector<128x1xi32> to vector<128x2048xi32>
    %gt3A_1064 = arith.cmpi sgt, %select_n3A_561, %gt3A_1063 : vector<128x2048xi32>
    %convert_element_type3A_1065 = arith.extui %gt3A_1064 : vector<128x2048xi1> to vector<128x2048xi32>
    %reduce_sum3A_1066 = arith.constant dense<0> : vector<128xi32>
    %reduce_sum3A_1067 = vector.multi_reduction <add>, %convert_element_type3A_1065, %reduce_sum3A_1066 [1] : vector<128x2048xi32> to vector<128xi32>
    %broadcast_in_dim3A_1068 = vector.shape_cast %reduce_sum3A_1067 : vector<128xi32> to vector<128x1xi32>
    %ge3A_1069 = arith.constant 32 : i32
    %ge3A_1070 = vector.broadcast %ge3A_1069 : i32 to vector<128x1xi32>
    %ge3A_1071 = arith.cmpi sge, %broadcast_in_dim3A_1068, %ge3A_1070 : vector<128x1xi32>
    %select_n3A_1072 = arith.select %ge3A_1071, %add3A_1062, %select_n3A_1055 : vector<128x1xi1>, vector<128x1xi32>
    %select_n3A_1073 = arith.select %ge3A_1071, %select_n3A_1056, %add3A_1062 : vector<128x1xi1>, vector<128x1xi32>
    %and3A_1074 = arith.andi %select_n3A_1072, %select_n3A_1073 : vector<128x1xi32>
    %xor3A_1075 = arith.xori %select_n3A_1072, %select_n3A_1073 : vector<128x1xi32>
    %shift_right_arithmetic3A_1076 = arith.constant 1 : i32
    %shift_right_arithmetic3A_1077 = vector.broadcast %shift_right_arithmetic3A_1076 : i32 to vector<128x1xi32>
    %shift_right_arithmetic3A_1078 = arith.shrsi %xor3A_1075, %shift_right_arithmetic3A_1077 : vector<128x1xi32>
    %add3A_1079 = arith.addi %and3A_1074, %shift_right_arithmetic3A_1078 : vector<128x1xi32>
    %gt3A_1080 = vector.broadcast %add3A_1079 : vector<128x1xi32> to vector<128x2048xi32>
    %gt3A_1081 = arith.cmpi sgt, %select_n3A_561, %gt3A_1080 : vector<128x2048xi32>
    %convert_element_type3A_1082 = arith.extui %gt3A_1081 : vector<128x2048xi1> to vector<128x2048xi32>
    %reduce_sum3A_1083 = arith.constant dense<0> : vector<128xi32>
    %reduce_sum3A_1084 = vector.multi_reduction <add>, %convert_element_type3A_1082, %reduce_sum3A_1083 [1] : vector<128x2048xi32> to vector<128xi32>
    %broadcast_in_dim3A_1085 = vector.shape_cast %reduce_sum3A_1084 : vector<128xi32> to vector<128x1xi32>
    %ge3A_1086 = arith.constant 32 : i32
    %ge3A_1087 = vector.broadcast %ge3A_1086 : i32 to vector<128x1xi32>
    %ge3A_1088 = arith.cmpi sge, %broadcast_in_dim3A_1085, %ge3A_1087 : vector<128x1xi32>
    %select_n3A_1089 = arith.select %ge3A_1088, %add3A_1079, %select_n3A_1072 : vector<128x1xi1>, vector<128x1xi32>
    %select_n3A_1090 = arith.select %ge3A_1088, %select_n3A_1073, %add3A_1079 : vector<128x1xi1>, vector<128x1xi32>
    %and3A_1091 = arith.andi %select_n3A_1089, %select_n3A_1090 : vector<128x1xi32>
    %xor3A_1092 = arith.xori %select_n3A_1089, %select_n3A_1090 : vector<128x1xi32>
    %shift_right_arithmetic3A_1093 = arith.constant 1 : i32
    %shift_right_arithmetic3A_1094 = vector.broadcast %shift_right_arithmetic3A_1093 : i32 to vector<128x1xi32>
    %shift_right_arithmetic3A_1095 = arith.shrsi %xor3A_1092, %shift_right_arithmetic3A_1094 : vector<128x1xi32>
    %add3A_1096 = arith.addi %and3A_1091, %shift_right_arithmetic3A_1095 : vector<128x1xi32>
    %gt3A_1097 = vector.broadcast %add3A_1096 : vector<128x1xi32> to vector<128x2048xi32>
    %gt3A_1098 = arith.cmpi sgt, %select_n3A_561, %gt3A_1097 : vector<128x2048xi32>
    %convert_element_type3A_1099 = arith.extui %gt3A_1098 : vector<128x2048xi1> to vector<128x2048xi32>
    %reduce_sum3A_1100 = arith.constant dense<0> : vector<128xi32>
    %reduce_sum3A_1101 = vector.multi_reduction <add>, %convert_element_type3A_1099, %reduce_sum3A_1100 [1] : vector<128x2048xi32> to vector<128xi32>
    %broadcast_in_dim3A_1102 = vector.shape_cast %reduce_sum3A_1101 : vector<128xi32> to vector<128x1xi32>
    %ge3A_1103 = arith.constant 32 : i32
    %ge3A_1104 = vector.broadcast %ge3A_1103 : i32 to vector<128x1xi32>
    %ge3A_1105 = arith.cmpi sge, %broadcast_in_dim3A_1102, %ge3A_1104 : vector<128x1xi32>
    %select_n3A_1106 = arith.select %ge3A_1105, %add3A_1096, %select_n3A_1089 : vector<128x1xi1>, vector<128x1xi32>
    %gt3A_1107 = vector.broadcast %select_n3A_1106 : vector<128x1xi32> to vector<128x2048xi32>
    %gt3A_1108 = arith.cmpi sgt, %select_n3A_561, %gt3A_1107 : vector<128x2048xi32>
    %add3A_1109 = arith.constant 1 : i32
    %add3A_1110 = vector.broadcast %add3A_1109 : i32 to vector<128x1xi32>
    %add3A_1111 = arith.addi %select_n3A_1106, %add3A_1110 : vector<128x1xi32>
    %gt3A_1112 = vector.broadcast %add3A_1111 : vector<128x1xi32> to vector<128x2048xi32>
    %gt3A_1113 = arith.cmpi sgt, %select_n3A_561, %gt3A_1112 : vector<128x2048xi32>
    %convert_element_type3A_1114 = arith.extui %gt3A_1113 : vector<128x2048xi1> to vector<128x2048xi32>
    %convert_element_type3A_1115 = arith.sitofp %convert_element_type3A_1114 : vector<128x2048xi32> to vector<128x2048xf32>
    %jit3A = arith.constant 1.000000e+00 : f32
    %jit3A_1116 = arith.constant 0.000000e+00 : f32
    %broadcast_in_dim3A_1117 = vector.broadcast %jit3A : f32 to vector<128x2048xf32>
    %broadcast_in_dim3A_1118 = vector.broadcast %jit3A_1116 : f32 to vector<128x2048xf32>
    %select_n3A_1119 = arith.select %gt3A_1108, %broadcast_in_dim3A_1117, %broadcast_in_dim3A_1118 : vector<128x2048xi1>, vector<128x2048xf32>
    %sub3A_1120 = arith.subf %select_n3A_1119, %convert_element_type3A_1115 : vector<128x2048xf32>
    %reduce_sum3A_1121 = arith.constant dense<0.000000e+00> : vector<128xf32>
    %reduce_sum3A_1122 = vector.multi_reduction <add>, %convert_element_type3A_1115, %reduce_sum3A_1121 [1] : vector<128x2048xf32> to vector<128xf32>
    %broadcast_in_dim3A_1123 = vector.shape_cast %reduce_sum3A_1122 : vector<128xf32> to vector<128x1xf32>
    %convert_element_type3A_1124 = arith.fptosi %broadcast_in_dim3A_1123 : vector<128x1xf32> to vector<128x1xi32>
    %gt3A_1125 = arith.constant 0.000000e+00 : f32
    %gt3A_1126 = vector.broadcast %gt3A_1125 : f32 to vector<128x1xf32>
    %gt3A_1127 = arith.cmpf ogt, %broadcast_in_dim3A_539, %gt3A_1126 : vector<128x1xf32>
    %sub3A_1128 = arith.constant 32 : i32
    %sub3A_1129 = vector.broadcast %sub3A_1128 : i32 to vector<128x1xi32>
    %sub3A_1130 = arith.subi %sub3A_1129, %convert_element_type3A_1124 : vector<128x1xi32>
    %jit3A_1131 = arith.constant 0 : i32
    %broadcast_in_dim3A_1132 = vector.broadcast %jit3A_1131 : i32 to vector<128x1xi32>
    %select_n3A_1133 = arith.select %gt3A_1127, %sub3A_1130, %broadcast_in_dim3A_1132 : vector<128x1xi1>, vector<128x1xi32>
    %while3A:3 = scf.while (%while3A_1452 = %convert_element_type3A_1115, %while3A_1453 = %sub3A_1120, %while3A_1454 = %select_n3A_1133) : (vector<128x2048xf32>, vector<128x2048xf32>, vector<128x1xi32>) -> (vector<128x2048xf32>, vector<128x2048xf32>, vector<128x1xi32>) {
      %gt3A_1455 = arith.constant 0 : i32
      %gt3A_1456 = vector.broadcast %gt3A_1455 : i32 to vector<128x1xi32>
      %gt3A_1457 = arith.cmpi sgt, %while3A_1454, %gt3A_1456 : vector<128x1xi32>
      %reduce_or3A = arith.constant 1.000000e+00 : f32
      %reduce_or3A_1458 = arith.constant 0.000000e+00 : f32
      %reduce_or3A_1459 = vector.broadcast %reduce_or3A : f32 to vector<128x1xf32>
      %reduce_or3A_1460 = vector.broadcast %reduce_or3A_1458 : f32 to vector<128x1xf32>
      %reduce_or3A_1461 = arith.select %gt3A_1457, %reduce_or3A_1459, %reduce_or3A_1460 : vector<128x1xi1>, vector<128x1xf32>
      %reduce_or3A_1462 = vector.shape_cast %reduce_or3A_1461 : vector<128x1xf32> to vector<1x128x1xf32>
      %reduce_or3A_1463 = arith.constant dense<0xFF800000> : vector<1xf32>
      %reduce_or3A_1464 = vector.multi_reduction <maximumf>, %reduce_or3A_1462, %reduce_or3A_1463 [1, 2] : vector<1x128x1xf32> to vector<1xf32>
      %reduce_or3A_1465 = vector.shape_cast %reduce_or3A_1464 : vector<1xf32> to vector<1x1x1xf32>
      %reduce_or3A_1466 = vector.extract %reduce_or3A_1465[0, 0, 0] : f32 from vector<1x1x1xf32>
      %reduce_or3A_1467 = arith.constant 0.000000e+00 : f32
      %reduce_or3A_1468 = arith.cmpf ogt, %reduce_or3A_1466, %reduce_or3A_1467 : f32
      scf.condition(%reduce_or3A_1468) %while3A_1452, %while3A_1453, %while3A_1454 : vector<128x2048xf32>, vector<128x2048xf32>, vector<128x1xi32>
    } do {
    ^bb0(%while3A_1452: vector<128x2048xf32>, %while3A_1453: vector<128x2048xf32>, %while3A_1454: vector<128x1xi32>):
      %gt3A_1455 = arith.constant 0.000000e+00 : f32
      %gt3A_1456 = vector.broadcast %gt3A_1455 : f32 to vector<128x2048xf32>
      %gt3A_1457 = arith.cmpf ogt, %while3A_1453, %gt3A_1456 : vector<128x2048xf32>
      %jit3A_1458 = arith.constant 2048 : i32
      %broadcast_in_dim3A_1459 = vector.broadcast %jit3A_1458 : i32 to vector<128x2048xi32>
      %select_n3A_1460 = arith.select %gt3A_1457, %iota3A_556, %broadcast_in_dim3A_1459 : vector<128x2048xi1>, vector<128x2048xi32>
      %reduce_min3A_1461 = arith.constant dense<2147483647> : vector<128xi32>
      %reduce_min3A_1462 = vector.multi_reduction <minsi>, %select_n3A_1460, %reduce_min3A_1461 [1] : vector<128x2048xi32> to vector<128xi32>
      %broadcast_in_dim3A_1463 = vector.shape_cast %reduce_min3A_1462 : vector<128xi32> to vector<128x1xi32>
      %eq3A_1464 = vector.broadcast %broadcast_in_dim3A_1463 : vector<128x1xi32> to vector<128x2048xi32>
      %eq3A_1465 = arith.cmpi eq, %iota3A_556, %eq3A_1464 : vector<128x2048xi32>
      %gt3A_1466 = arith.constant 0 : i32
      %gt3A_1467 = vector.broadcast %gt3A_1466 : i32 to vector<128x1xi32>
      %gt3A_1468 = arith.cmpi sgt, %while3A_1454, %gt3A_1467 : vector<128x1xi32>
      %and3A_1469 = vector.broadcast %gt3A_1468 : vector<128x1xi1> to vector<128x2048xi1>
      %and3A_1470 = arith.andi %eq3A_1465, %and3A_1469 : vector<128x2048xi1>
      %jit3A_1471 = arith.constant 1.000000e+00 : f32
      %broadcast_in_dim3A_1472 = vector.broadcast %jit3A_1471 : f32 to vector<128x2048xf32>
      %select_n3A_1473 = arith.select %and3A_1470, %broadcast_in_dim3A_1472, %while3A_1452 : vector<128x2048xi1>, vector<128x2048xf32>
      %jit3A_1474 = arith.constant 0.000000e+00 : f32
      %broadcast_in_dim3A_1475 = vector.broadcast %jit3A_1474 : f32 to vector<128x2048xf32>
      %select_n3A_1476 = arith.select %and3A_1470, %broadcast_in_dim3A_1475, %while3A_1453 : vector<128x2048xi1>, vector<128x2048xf32>
      %gt3A_1477 = arith.constant 0 : i32
      %gt3A_1478 = vector.broadcast %gt3A_1477 : i32 to vector<128x1xi32>
      %gt3A_1479 = arith.cmpi sgt, %while3A_1454, %gt3A_1478 : vector<128x1xi32>
      %convert_element_type3A_1480 = arith.extui %gt3A_1479 : vector<128x1xi1> to vector<128x1xi32>
      %sub3A_1481 = arith.subi %while3A_1454, %convert_element_type3A_1480 : vector<128x1xi32>
      scf.yield %select_n3A_1473, %select_n3A_1476, %sub3A_1481 : vector<128x2048xf32>, vector<128x2048xf32>, vector<128x1xi32>
    }
    %exp3A = math.exp %dot_general3A_555 : vector<128x2048xf32>
    %reduce_sum3A_1134 = arith.constant dense<0.000000e+00> : vector<128xf32>
    %reduce_sum3A_1135 = vector.multi_reduction <add>, %exp3A, %reduce_sum3A_1134 [1] : vector<128x2048xf32> to vector<128xf32>
    %broadcast_in_dim3A_1136 = vector.shape_cast %reduce_sum3A_1135 : vector<128xf32> to vector<128x1xf32>
    %sub3A_1137 = arith.constant 1.000000e+00 : f32
    %sub3A_1138 = vector.broadcast %sub3A_1137 : f32 to vector<128x2048xf32>
    %sub3A_1139 = arith.subf %sub3A_1138, %while3A#0 : vector<128x2048xf32>
    %mul3A_1140 = arith.mulf %exp3A, %sub3A_1139 : vector<128x2048xf32>
    %reduce_sum3A_1141 = arith.constant dense<0.000000e+00> : vector<128xf32>
    %reduce_sum3A_1142 = vector.multi_reduction <add>, %mul3A_1140, %reduce_sum3A_1141 [1] : vector<128x2048xf32> to vector<128xf32>
    %broadcast_in_dim3A_1143 = vector.shape_cast %reduce_sum3A_1142 : vector<128xf32> to vector<128x1xf32>
    %div3A_1144 = arith.divf %broadcast_in_dim3A_1143, %broadcast_in_dim3A_1136 : vector<128x1xf32>
    %convert_element_type3A_1145 = arith.truncf %mul3A_1140 : vector<128x2048xf32> to vector<128x2048xbf16>
    %convert_element_type3A_1146 = arith.truncf %get3A_13 : vector<2048x64xf32> to vector<2048x64xbf16>
    %dot_general3A_1147 = arith.constant dense<0.000000e+00> : vector<128x64xf32>
    %dot_general3A_1148 = tpu.matmul %convert_element_type3A_1145, %convert_element_type3A_1146, %dot_general3A_1147 {dimension_numbers = #tpu.dot_dimension_numbers<[1], [0], [0], [1], [0, 0, 1, 1], [], []>, transpose_lhs_hint = false} : vector<128x2048xbf16>, vector<2048x64xbf16>, vector<128x64xf32> -> vector<128x64xf32>
    %div3A_1149 = vector.broadcast %broadcast_in_dim3A_1136 : vector<128x1xf32> to vector<128x64xf32>
    %div3A_1150 = arith.divf %dot_general3A_1148, %div3A_1149 : vector<128x64xf32>
    %broadcast_in_dim3A_1151 = vector.shape_cast %div3A_1144 : vector<128x1xf32> to vector<128x1xf32>
    %broadcast_in_dim3A_1152 = vector.broadcast %broadcast_in_dim3A_1151 : vector<128x1xf32> to vector<128x16xf32>
    %broadcast_in_dim3A_1153 = arith.constant 0.000000e+00 : f32
    %broadcast_in_dim3A_1154 = vector.broadcast %broadcast_in_dim3A_1153 : f32 to vector<128x48xf32>
    %concatenate3A = tpu.concatenate %div3A_1150, %broadcast_in_dim3A_1152, %broadcast_in_dim3A_1154 in 1 : vector<128x64xf32>, vector<128x16xf32>, vector<128x48xf32> -> vector<128x128xf32>
    %swap3A = arith.constant 0 : index
    %swap3A_1155 = arith.constant 0 : index
    %swap3A_1156 = arith.constant 0 : index
    %swap3A_1157 = vector.load %arg8[%swap3A, %swap3A_1155, %swap3A_1156] : memref<1x128x128xf32, #tpu.memory_space<vmem>>, vector<1x128x128xf32>
    %swap3A_1158 = vector.shape_cast %swap3A_1157 : vector<1x128x128xf32> to vector<128x128xf32>
    %swap3A_1159 = vector.shape_cast %concatenate3A : vector<128x128xf32> to vector<1x128x128xf32>
    tpu.vector_store %arg8[%swap3A, %swap3A_1155, %swap3A_1156], %swap3A_1159 {strides = array<i32>} : memref<1x128x128xf32, #tpu.memory_space<vmem>>, vector<1x128x128xf32>,
    %mul3A_1160 = arith.constant 128 : i32
    %mul3A_1161 = arith.muli %arg0, %mul3A_1160 : i32
    %add3A_1162 = vector.broadcast %mul3A_1161 : i32 to vector<1x2048xi32>
    %add3A_1163 = arith.addi %and3A_532, %add3A_1162 : vector<1x2048xi32>
    %swap3A_1164 = arith.constant 0 : index
    %swap3A_1165 = arith.constant 0 : index
    %swap3A_1166 = arith.constant 0 : index
    %swap3A_1167 = vector.load %arg9[%swap3A_1164, %swap3A_1165, %swap3A_1166] : memref<1x1x2048xi32, #tpu.memory_space<vmem>>, vector<1x1x2048xi32>
    %swap3A_1168 = vector.shape_cast %swap3A_1167 : vector<1x1x2048xi32> to vector<1x2048xi32>
    %swap3A_1169 = vector.shape_cast %add3A_1163 : vector<1x2048xi32> to vector<1x1x2048xi32>
    tpu.vector_store %arg9[%swap3A_1164, %swap3A_1165, %swap3A_1166], %swap3A_1169 {strides = array<i32>} : memref<1x1x2048xi32, #tpu.memory_space<vmem>>, vector<1x1x2048xi32>,
    %mul3A_1170 = arith.constant 1.250000e-01 : f32
    %mul3A_1171 = vector.broadcast %mul3A_1170 : f32 to vector<2048x64xf32>
    %mul3A_1172 = arith.mulf %mul3A_1171, %get3A_3 : vector<2048x64xf32>
    %slice3A = vector.extract_strided_slice %convert_element_type3A_536 {offsets = [0, 0], sizes = [128, 256], strides = [1, 1]} : vector<128x2048xf32> to vector<128x256xf32>
    %convert_element_type3A_1173 = arith.truncf %slice3A : vector<128x256xf32> to vector<128x256xbf16>
    %convert_element_type3A_1174 = arith.truncf %while3A#0 : vector<128x2048xf32> to vector<128x2048xbf16>
    %dot_general3A_1175 = arith.constant dense<0.000000e+00> : vector<256x2048xf32>
    %dot_general3A_1176 = tpu.matmul %convert_element_type3A_1173, %convert_element_type3A_1174, %dot_general3A_1175 {dimension_numbers = #tpu.dot_dimension_numbers<[0], [0], [1], [1], [0, 1, 1, 1], [], []>, transpose_lhs_hint = false} : vector<128x256xbf16>, vector<128x2048xbf16>, vector<256x2048xf32> -> vector<256x2048xf32>
    %slice3A_1177 = vector.extract_strided_slice %mul3A_1172 {offsets = [0, 0], sizes = [256, 64], strides = [1, 1]} : vector<2048x64xf32> to vector<256x64xf32>
    %convert_element_type3A_1178 = arith.truncf %slice3A_1177 : vector<256x64xf32> to vector<256x64xbf16>
    %convert_element_type3A_1179 = arith.truncf %get3A_8 : vector<2048x64xf32> to vector<2048x64xbf16>
    %dot_general3A_1180 = arith.constant dense<0.000000e+00> : vector<256x2048xf32>
    %dot_general3A_1181 = tpu.matmul %convert_element_type3A_1178, %convert_element_type3A_1179, %dot_general3A_1180 {dimension_numbers = #tpu.dot_dimension_numbers<[1], [1], [0], [0], [0, 0, 1, 0], [], []>, transpose_lhs_hint = false} : vector<256x64xbf16>, vector<2048x64xbf16>, vector<256x2048xf32> -> vector<256x2048xf32>
    %gt3A_1182 = arith.constant 0.000000e+00 : f32
    %gt3A_1183 = vector.broadcast %gt3A_1182 : f32 to vector<256x2048xf32>
    %gt3A_1184 = arith.cmpf ogt, %dot_general3A_1176, %gt3A_1183 : vector<256x2048xf32>
    %jit3A_1185 = arith.constant 0xFF800000 : f32
    %broadcast_in_dim3A_1186 = vector.broadcast %jit3A_1185 : f32 to vector<256x2048xf32>
    %select_n3A_1187 = arith.select %gt3A_1184, %dot_general3A_1181, %broadcast_in_dim3A_1186 : vector<256x2048xi1>, vector<256x2048xf32>
    %exp3A_1188 = math.exp %select_n3A_1187 : vector<256x2048xf32>
    %reduce_sum3A_1189 = arith.constant dense<0.000000e+00> : vector<256xf32>
    %reduce_sum3A_1190 = vector.multi_reduction <add>, %exp3A_1188, %reduce_sum3A_1189 [1] : vector<256x2048xf32> to vector<256xf32>
    %broadcast_in_dim3A_1191 = vector.shape_cast %reduce_sum3A_1190 : vector<256xf32> to vector<256x1xf32>
    %div3A_1192 = arith.constant 1.000000e+00 : f32
    %div3A_1193 = vector.broadcast %div3A_1192 : f32 to vector<256x1xf32>
    %div3A_1194 = arith.divf %div3A_1193, %broadcast_in_dim3A_1191 : vector<256x1xf32>
    %convert_element_type3A_1195 = arith.truncf %exp3A_1188 : vector<256x2048xf32> to vector<256x2048xbf16>
    %convert_element_type3A_1196 = arith.truncf %get3A_13 : vector<2048x64xf32> to vector<2048x64xbf16>
    %dot_general3A_1197 = arith.constant dense<0.000000e+00> : vector<256x64xf32>
    %dot_general3A_1198 = tpu.matmul %convert_element_type3A_1195, %convert_element_type3A_1196, %dot_general3A_1197 {dimension_numbers = #tpu.dot_dimension_numbers<[1], [0], [0], [1], [0, 0, 1, 1], [], []>, transpose_lhs_hint = false} : vector<256x2048xbf16>, vector<2048x64xbf16>, vector<256x64xf32> -> vector<256x64xf32>
    %mul3A_1199 = vector.broadcast %div3A_1194 : vector<256x1xf32> to vector<256x64xf32>
    %mul3A_1200 = arith.mulf %dot_general3A_1198, %mul3A_1199 : vector<256x64xf32>
    %swap3A_1201 = arith.constant 0 : index
    %swap3A_1202 = arith.constant 0 : index
    %swap3A_1203 = arith.constant 0 : index
    %swap3A_1204 = vector.load %arg7[%swap3A_1201, %swap3A_1202, %swap3A_1203] : memref<1x2048x64xf32, #tpu.memory_space<vmem>>, vector<1x256x64xf32>
    %swap3A_1205 = vector.shape_cast %swap3A_1204 : vector<1x256x64xf32> to vector<256x64xf32>
    %swap3A_1206 = vector.shape_cast %mul3A_1200 : vector<256x64xf32> to vector<1x256x64xf32>
    tpu.vector_store %arg7[%swap3A_1201, %swap3A_1202, %swap3A_1203], %swap3A_1206 {strides = array<i32>} : memref<1x2048x64xf32, #tpu.memory_space<vmem>>, vector<1x256x64xf32>,
    %slice3A_1207 = vector.extract_strided_slice %convert_element_type3A_536 {offsets = [0, 256], sizes = [128, 256], strides = [1, 1]} : vector<128x2048xf32> to vector<128x256xf32>
    %convert_element_type3A_1208 = arith.truncf %slice3A_1207 : vector<128x256xf32> to vector<128x256xbf16>
    %convert_element_type3A_1209 = arith.truncf %while3A#0 : vector<128x2048xf32> to vector<128x2048xbf16>
    %dot_general3A_1210 = arith.constant dense<0.000000e+00> : vector<256x2048xf32>
    %dot_general3A_1211 = tpu.matmul %convert_element_type3A_1208, %convert_element_type3A_1209, %dot_general3A_1210 {dimension_numbers = #tpu.dot_dimension_numbers<[0], [0], [1], [1], [0, 1, 1, 1], [], []>, transpose_lhs_hint = false} : vector<128x256xbf16>, vector<128x2048xbf16>, vector<256x2048xf32> -> vector<256x2048xf32>
    %slice3A_1212 = vector.extract_strided_slice %mul3A_1172 {offsets = [256, 0], sizes = [256, 64], strides = [1, 1]} : vector<2048x64xf32> to vector<256x64xf32>
    %convert_element_type3A_1213 = arith.truncf %slice3A_1212 : vector<256x64xf32> to vector<256x64xbf16>
    %convert_element_type3A_1214 = arith.truncf %get3A_8 : vector<2048x64xf32> to vector<2048x64xbf16>
    %dot_general3A_1215 = arith.constant dense<0.000000e+00> : vector<256x2048xf32>
    %dot_general3A_1216 = tpu.matmul %convert_element_type3A_1213, %convert_element_type3A_1214, %dot_general3A_1215 {dimension_numbers = #tpu.dot_dimension_numbers<[1], [1], [0], [0], [0, 0, 1, 0], [], []>, transpose_lhs_hint = false} : vector<256x64xbf16>, vector<2048x64xbf16>, vector<256x2048xf32> -> vector<256x2048xf32>
    %gt3A_1217 = arith.constant 0.000000e+00 : f32
    %gt3A_1218 = vector.broadcast %gt3A_1217 : f32 to vector<256x2048xf32>
    %gt3A_1219 = arith.cmpf ogt, %dot_general3A_1211, %gt3A_1218 : vector<256x2048xf32>
    %jit3A_1220 = arith.constant 0xFF800000 : f32
    %broadcast_in_dim3A_1221 = vector.broadcast %jit3A_1220 : f32 to vector<256x2048xf32>
    %select_n3A_1222 = arith.select %gt3A_1219, %dot_general3A_1216, %broadcast_in_dim3A_1221 : vector<256x2048xi1>, vector<256x2048xf32>
    %exp3A_1223 = math.exp %select_n3A_1222 : vector<256x2048xf32>
    %reduce_sum3A_1224 = arith.constant dense<0.000000e+00> : vector<256xf32>
    %reduce_sum3A_1225 = vector.multi_reduction <add>, %exp3A_1223, %reduce_sum3A_1224 [1] : vector<256x2048xf32> to vector<256xf32>
    %broadcast_in_dim3A_1226 = vector.shape_cast %reduce_sum3A_1225 : vector<256xf32> to vector<256x1xf32>
    %div3A_1227 = arith.constant 1.000000e+00 : f32
    %div3A_1228 = vector.broadcast %div3A_1227 : f32 to vector<256x1xf32>
    %div3A_1229 = arith.divf %div3A_1228, %broadcast_in_dim3A_1226 : vector<256x1xf32>
    %convert_element_type3A_1230 = arith.truncf %exp3A_1223 : vector<256x2048xf32> to vector<256x2048xbf16>
    %convert_element_type3A_1231 = arith.truncf %get3A_13 : vector<2048x64xf32> to vector<2048x64xbf16>
    %dot_general3A_1232 = arith.constant dense<0.000000e+00> : vector<256x64xf32>
    %dot_general3A_1233 = tpu.matmul %convert_element_type3A_1230, %convert_element_type3A_1231, %dot_general3A_1232 {dimension_numbers = #tpu.dot_dimension_numbers<[1], [0], [0], [1], [0, 0, 1, 1], [], []>, transpose_lhs_hint = false} : vector<256x2048xbf16>, vector<2048x64xbf16>, vector<256x64xf32> -> vector<256x64xf32>
    %mul3A_1234 = vector.broadcast %div3A_1229 : vector<256x1xf32> to vector<256x64xf32>
    %mul3A_1235 = arith.mulf %dot_general3A_1233, %mul3A_1234 : vector<256x64xf32>
    %swap3A_1236 = arith.constant 0 : index
    %swap3A_1237 = arith.constant 256 : index
    %swap3A_1238 = arith.constant 0 : index
    %swap3A_1239 = vector.load %arg7[%swap3A_1236, %swap3A_1237, %swap3A_1238] : memref<1x2048x64xf32, #tpu.memory_space<vmem>>, vector<1x256x64xf32>
    %swap3A_1240 = vector.shape_cast %swap3A_1239 : vector<1x256x64xf32> to vector<256x64xf32>
    %swap3A_1241 = vector.shape_cast %mul3A_1235 : vector<256x64xf32> to vector<1x256x64xf32>
    tpu.vector_store %arg7[%swap3A_1236, %swap3A_1237, %swap3A_1238], %swap3A_1241 {strides = array<i32>} : memref<1x2048x64xf32, #tpu.memory_space<vmem>>, vector<1x256x64xf32>,
    %slice3A_1242 = vector.extract_strided_slice %convert_element_type3A_536 {offsets = [0, 512], sizes = [128, 256], strides = [1, 1]} : vector<128x2048xf32> to vector<128x256xf32>
    %convert_element_type3A_1243 = arith.truncf %slice3A_1242 : vector<128x256xf32> to vector<128x256xbf16>
    %convert_element_type3A_1244 = arith.truncf %while3A#0 : vector<128x2048xf32> to vector<128x2048xbf16>
    %dot_general3A_1245 = arith.constant dense<0.000000e+00> : vector<256x2048xf32>
    %dot_general3A_1246 = tpu.matmul %convert_element_type3A_1243, %convert_element_type3A_1244, %dot_general3A_1245 {dimension_numbers = #tpu.dot_dimension_numbers<[0], [0], [1], [1], [0, 1, 1, 1], [], []>, transpose_lhs_hint = false} : vector<128x256xbf16>, vector<128x2048xbf16>, vector<256x2048xf32> -> vector<256x2048xf32>
    %slice3A_1247 = vector.extract_strided_slice %mul3A_1172 {offsets = [512, 0], sizes = [256, 64], strides = [1, 1]} : vector<2048x64xf32> to vector<256x64xf32>
    %convert_element_type3A_1248 = arith.truncf %slice3A_1247 : vector<256x64xf32> to vector<256x64xbf16>
    %convert_element_type3A_1249 = arith.truncf %get3A_8 : vector<2048x64xf32> to vector<2048x64xbf16>
    %dot_general3A_1250 = arith.constant dense<0.000000e+00> : vector<256x2048xf32>
    %dot_general3A_1251 = tpu.matmul %convert_element_type3A_1248, %convert_element_type3A_1249, %dot_general3A_1250 {dimension_numbers = #tpu.dot_dimension_numbers<[1], [1], [0], [0], [0, 0, 1, 0], [], []>, transpose_lhs_hint = false} : vector<256x64xbf16>, vector<2048x64xbf16>, vector<256x2048xf32> -> vector<256x2048xf32>
    %gt3A_1252 = arith.constant 0.000000e+00 : f32
    %gt3A_1253 = vector.broadcast %gt3A_1252 : f32 to vector<256x2048xf32>
    %gt3A_1254 = arith.cmpf ogt, %dot_general3A_1246, %gt3A_1253 : vector<256x2048xf32>
    %jit3A_1255 = arith.constant 0xFF800000 : f32
    %broadcast_in_dim3A_1256 = vector.broadcast %jit3A_1255 : f32 to vector<256x2048xf32>
    %select_n3A_1257 = arith.select %gt3A_1254, %dot_general3A_1251, %broadcast_in_dim3A_1256 : vector<256x2048xi1>, vector<256x2048xf32>
    %exp3A_1258 = math.exp %select_n3A_1257 : vector<256x2048xf32>
    %reduce_sum3A_1259 = arith.constant dense<0.000000e+00> : vector<256xf32>
    %reduce_sum3A_1260 = vector.multi_reduction <add>, %exp3A_1258, %reduce_sum3A_1259 [1] : vector<256x2048xf32> to vector<256xf32>
    %broadcast_in_dim3A_1261 = vector.shape_cast %reduce_sum3A_1260 : vector<256xf32> to vector<256x1xf32>
    %div3A_1262 = arith.constant 1.000000e+00 : f32
    %div3A_1263 = vector.broadcast %div3A_1262 : f32 to vector<256x1xf32>
    %div3A_1264 = arith.divf %div3A_1263, %broadcast_in_dim3A_1261 : vector<256x1xf32>
    %convert_element_type3A_1265 = arith.truncf %exp3A_1258 : vector<256x2048xf32> to vector<256x2048xbf16>
    %convert_element_type3A_1266 = arith.truncf %get3A_13 : vector<2048x64xf32> to vector<2048x64xbf16>
    %dot_general3A_1267 = arith.constant dense<0.000000e+00> : vector<256x64xf32>
    %dot_general3A_1268 = tpu.matmul %convert_element_type3A_1265, %convert_element_type3A_1266, %dot_general3A_1267 {dimension_numbers = #tpu.dot_dimension_numbers<[1], [0], [0], [1], [0, 0, 1, 1], [], []>, transpose_lhs_hint = false} : vector<256x2048xbf16>, vector<2048x64xbf16>, vector<256x64xf32> -> vector<256x64xf32>
    %mul3A_1269 = vector.broadcast %div3A_1264 : vector<256x1xf32> to vector<256x64xf32>
    %mul3A_1270 = arith.mulf %dot_general3A_1268, %mul3A_1269 : vector<256x64xf32>
    %swap3A_1271 = arith.constant 0 : index
    %swap3A_1272 = arith.constant 512 : index
    %swap3A_1273 = arith.constant 0 : index
    %swap3A_1274 = vector.load %arg7[%swap3A_1271, %swap3A_1272, %swap3A_1273] : memref<1x2048x64xf32, #tpu.memory_space<vmem>>, vector<1x256x64xf32>
    %swap3A_1275 = vector.shape_cast %swap3A_1274 : vector<1x256x64xf32> to vector<256x64xf32>
    %swap3A_1276 = vector.shape_cast %mul3A_1270 : vector<256x64xf32> to vector<1x256x64xf32>
    tpu.vector_store %arg7[%swap3A_1271, %swap3A_1272, %swap3A_1273], %swap3A_1276 {strides = array<i32>} : memref<1x2048x64xf32, #tpu.memory_space<vmem>>, vector<1x256x64xf32>,
    %slice3A_1277 = vector.extract_strided_slice %convert_element_type3A_536 {offsets = [0, 768], sizes = [128, 256], strides = [1, 1]} : vector<128x2048xf32> to vector<128x256xf32>
    %convert_element_type3A_1278 = arith.truncf %slice3A_1277 : vector<128x256xf32> to vector<128x256xbf16>
    %convert_element_type3A_1279 = arith.truncf %while3A#0 : vector<128x2048xf32> to vector<128x2048xbf16>
    %dot_general3A_1280 = arith.constant dense<0.000000e+00> : vector<256x2048xf32>
    %dot_general3A_1281 = tpu.matmul %convert_element_type3A_1278, %convert_element_type3A_1279, %dot_general3A_1280 {dimension_numbers = #tpu.dot_dimension_numbers<[0], [0], [1], [1], [0, 1, 1, 1], [], []>, transpose_lhs_hint = false} : vector<128x256xbf16>, vector<128x2048xbf16>, vector<256x2048xf32> -> vector<256x2048xf32>
    %slice3A_1282 = vector.extract_strided_slice %mul3A_1172 {offsets = [768, 0], sizes = [256, 64], strides = [1, 1]} : vector<2048x64xf32> to vector<256x64xf32>
    %convert_element_type3A_1283 = arith.truncf %slice3A_1282 : vector<256x64xf32> to vector<256x64xbf16>
    %convert_element_type3A_1284 = arith.truncf %get3A_8 : vector<2048x64xf32> to vector<2048x64xbf16>
    %dot_general3A_1285 = arith.constant dense<0.000000e+00> : vector<256x2048xf32>
    %dot_general3A_1286 = tpu.matmul %convert_element_type3A_1283, %convert_element_type3A_1284, %dot_general3A_1285 {dimension_numbers = #tpu.dot_dimension_numbers<[1], [1], [0], [0], [0, 0, 1, 0], [], []>, transpose_lhs_hint = false} : vector<256x64xbf16>, vector<2048x64xbf16>, vector<256x2048xf32> -> vector<256x2048xf32>
    %gt3A_1287 = arith.constant 0.000000e+00 : f32
    %gt3A_1288 = vector.broadcast %gt3A_1287 : f32 to vector<256x2048xf32>
    %gt3A_1289 = arith.cmpf ogt, %dot_general3A_1281, %gt3A_1288 : vector<256x2048xf32>
    %jit3A_1290 = arith.constant 0xFF800000 : f32
    %broadcast_in_dim3A_1291 = vector.broadcast %jit3A_1290 : f32 to vector<256x2048xf32>
    %select_n3A_1292 = arith.select %gt3A_1289, %dot_general3A_1286, %broadcast_in_dim3A_1291 : vector<256x2048xi1>, vector<256x2048xf32>
    %exp3A_1293 = math.exp %select_n3A_1292 : vector<256x2048xf32>
    %reduce_sum3A_1294 = arith.constant dense<0.000000e+00> : vector<256xf32>
    %reduce_sum3A_1295 = vector.multi_reduction <add>, %exp3A_1293, %reduce_sum3A_1294 [1] : vector<256x2048xf32> to vector<256xf32>
    %broadcast_in_dim3A_1296 = vector.shape_cast %reduce_sum3A_1295 : vector<256xf32> to vector<256x1xf32>
    %div3A_1297 = arith.constant 1.000000e+00 : f32
    %div3A_1298 = vector.broadcast %div3A_1297 : f32 to vector<256x1xf32>
    %div3A_1299 = arith.divf %div3A_1298, %broadcast_in_dim3A_1296 : vector<256x1xf32>
    %convert_element_type3A_1300 = arith.truncf %exp3A_1293 : vector<256x2048xf32> to vector<256x2048xbf16>
    %convert_element_type3A_1301 = arith.truncf %get3A_13 : vector<2048x64xf32> to vector<2048x64xbf16>
    %dot_general3A_1302 = arith.constant dense<0.000000e+00> : vector<256x64xf32>
    %dot_general3A_1303 = tpu.matmul %convert_element_type3A_1300, %convert_element_type3A_1301, %dot_general3A_1302 {dimension_numbers = #tpu.dot_dimension_numbers<[1], [0], [0], [1], [0, 0, 1, 1], [], []>, transpose_lhs_hint = false} : vector<256x2048xbf16>, vector<2048x64xbf16>, vector<256x64xf32> -> vector<256x64xf32>
    %mul3A_1304 = vector.broadcast %div3A_1299 : vector<256x1xf32> to vector<256x64xf32>
    %mul3A_1305 = arith.mulf %dot_general3A_1303, %mul3A_1304 : vector<256x64xf32>
    %swap3A_1306 = arith.constant 0 : index
    %swap3A_1307 = arith.constant 768 : index
    %swap3A_1308 = arith.constant 0 : index
    %swap3A_1309 = vector.load %arg7[%swap3A_1306, %swap3A_1307, %swap3A_1308] : memref<1x2048x64xf32, #tpu.memory_space<vmem>>, vector<1x256x64xf32>
    %swap3A_1310 = vector.shape_cast %swap3A_1309 : vector<1x256x64xf32> to vector<256x64xf32>
    %swap3A_1311 = vector.shape_cast %mul3A_1305 : vector<256x64xf32> to vector<1x256x64xf32>
    tpu.vector_store %arg7[%swap3A_1306, %swap3A_1307, %swap3A_1308], %swap3A_1311 {strides = array<i32>} : memref<1x2048x64xf32, #tpu.memory_space<vmem>>, vector<1x256x64xf32>,
    %slice3A_1312 = vector.extract_strided_slice %convert_element_type3A_536 {offsets = [0, 1024], sizes = [128, 256], strides = [1, 1]} : vector<128x2048xf32> to vector<128x256xf32>
    %convert_element_type3A_1313 = arith.truncf %slice3A_1312 : vector<128x256xf32> to vector<128x256xbf16>
    %convert_element_type3A_1314 = arith.truncf %while3A#0 : vector<128x2048xf32> to vector<128x2048xbf16>
    %dot_general3A_1315 = arith.constant dense<0.000000e+00> : vector<256x2048xf32>
    %dot_general3A_1316 = tpu.matmul %convert_element_type3A_1313, %convert_element_type3A_1314, %dot_general3A_1315 {dimension_numbers = #tpu.dot_dimension_numbers<[0], [0], [1], [1], [0, 1, 1, 1], [], []>, transpose_lhs_hint = false} : vector<128x256xbf16>, vector<128x2048xbf16>, vector<256x2048xf32> -> vector<256x2048xf32>
    %slice3A_1317 = vector.extract_strided_slice %mul3A_1172 {offsets = [1024, 0], sizes = [256, 64], strides = [1, 1]} : vector<2048x64xf32> to vector<256x64xf32>
    %convert_element_type3A_1318 = arith.truncf %slice3A_1317 : vector<256x64xf32> to vector<256x64xbf16>
    %convert_element_type3A_1319 = arith.truncf %get3A_8 : vector<2048x64xf32> to vector<2048x64xbf16>
    %dot_general3A_1320 = arith.constant dense<0.000000e+00> : vector<256x2048xf32>
    %dot_general3A_1321 = tpu.matmul %convert_element_type3A_1318, %convert_element_type3A_1319, %dot_general3A_1320 {dimension_numbers = #tpu.dot_dimension_numbers<[1], [1], [0], [0], [0, 0, 1, 0], [], []>, transpose_lhs_hint = false} : vector<256x64xbf16>, vector<2048x64xbf16>, vector<256x2048xf32> -> vector<256x2048xf32>
    %gt3A_1322 = arith.constant 0.000000e+00 : f32
    %gt3A_1323 = vector.broadcast %gt3A_1322 : f32 to vector<256x2048xf32>
    %gt3A_1324 = arith.cmpf ogt, %dot_general3A_1316, %gt3A_1323 : vector<256x2048xf32>
    %jit3A_1325 = arith.constant 0xFF800000 : f32
    %broadcast_in_dim3A_1326 = vector.broadcast %jit3A_1325 : f32 to vector<256x2048xf32>
    %select_n3A_1327 = arith.select %gt3A_1324, %dot_general3A_1321, %broadcast_in_dim3A_1326 : vector<256x2048xi1>, vector<256x2048xf32>
    %exp3A_1328 = math.exp %select_n3A_1327 : vector<256x2048xf32>
    %reduce_sum3A_1329 = arith.constant dense<0.000000e+00> : vector<256xf32>
    %reduce_sum3A_1330 = vector.multi_reduction <add>, %exp3A_1328, %reduce_sum3A_1329 [1] : vector<256x2048xf32> to vector<256xf32>
    %broadcast_in_dim3A_1331 = vector.shape_cast %reduce_sum3A_1330 : vector<256xf32> to vector<256x1xf32>
    %div3A_1332 = arith.constant 1.000000e+00 : f32
    %div3A_1333 = vector.broadcast %div3A_1332 : f32 to vector<256x1xf32>
    %div3A_1334 = arith.divf %div3A_1333, %broadcast_in_dim3A_1331 : vector<256x1xf32>
    %convert_element_type3A_1335 = arith.truncf %exp3A_1328 : vector<256x2048xf32> to vector<256x2048xbf16>
    %convert_element_type3A_1336 = arith.truncf %get3A_13 : vector<2048x64xf32> to vector<2048x64xbf16>
    %dot_general3A_1337 = arith.constant dense<0.000000e+00> : vector<256x64xf32>
    %dot_general3A_1338 = tpu.matmul %convert_element_type3A_1335, %convert_element_type3A_1336, %dot_general3A_1337 {dimension_numbers = #tpu.dot_dimension_numbers<[1], [0], [0], [1], [0, 0, 1, 1], [], []>, transpose_lhs_hint = false} : vector<256x2048xbf16>, vector<2048x64xbf16>, vector<256x64xf32> -> vector<256x64xf32>
    %mul3A_1339 = vector.broadcast %div3A_1334 : vector<256x1xf32> to vector<256x64xf32>
    %mul3A_1340 = arith.mulf %dot_general3A_1338, %mul3A_1339 : vector<256x64xf32>
    %swap3A_1341 = arith.constant 0 : index
    %swap3A_1342 = arith.constant 1024 : index
    %swap3A_1343 = arith.constant 0 : index
    %swap3A_1344 = vector.load %arg7[%swap3A_1341, %swap3A_1342, %swap3A_1343] : memref<1x2048x64xf32, #tpu.memory_space<vmem>>, vector<1x256x64xf32>
    %swap3A_1345 = vector.shape_cast %swap3A_1344 : vector<1x256x64xf32> to vector<256x64xf32>
    %swap3A_1346 = vector.shape_cast %mul3A_1340 : vector<256x64xf32> to vector<1x256x64xf32>
    tpu.vector_store %arg7[%swap3A_1341, %swap3A_1342, %swap3A_1343], %swap3A_1346 {strides = array<i32>} : memref<1x2048x64xf32, #tpu.memory_space<vmem>>, vector<1x256x64xf32>,
    %slice3A_1347 = vector.extract_strided_slice %convert_element_type3A_536 {offsets = [0, 1280], sizes = [128, 256], strides = [1, 1]} : vector<128x2048xf32> to vector<128x256xf32>
    %convert_element_type3A_1348 = arith.truncf %slice3A_1347 : vector<128x256xf32> to vector<128x256xbf16>
    %convert_element_type3A_1349 = arith.truncf %while3A#0 : vector<128x2048xf32> to vector<128x2048xbf16>
    %dot_general3A_1350 = arith.constant dense<0.000000e+00> : vector<256x2048xf32>
    %dot_general3A_1351 = tpu.matmul %convert_element_type3A_1348, %convert_element_type3A_1349, %dot_general3A_1350 {dimension_numbers = #tpu.dot_dimension_numbers<[0], [0], [1], [1], [0, 1, 1, 1], [], []>, transpose_lhs_hint = false} : vector<128x256xbf16>, vector<128x2048xbf16>, vector<256x2048xf32> -> vector<256x2048xf32>
    %slice3A_1352 = vector.extract_strided_slice %mul3A_1172 {offsets = [1280, 0], sizes = [256, 64], strides = [1, 1]} : vector<2048x64xf32> to vector<256x64xf32>
    %convert_element_type3A_1353 = arith.truncf %slice3A_1352 : vector<256x64xf32> to vector<256x64xbf16>
    %convert_element_type3A_1354 = arith.truncf %get3A_8 : vector<2048x64xf32> to vector<2048x64xbf16>
    %dot_general3A_1355 = arith.constant dense<0.000000e+00> : vector<256x2048xf32>
    %dot_general3A_1356 = tpu.matmul %convert_element_type3A_1353, %convert_element_type3A_1354, %dot_general3A_1355 {dimension_numbers = #tpu.dot_dimension_numbers<[1], [1], [0], [0], [0, 0, 1, 0], [], []>, transpose_lhs_hint = false} : vector<256x64xbf16>, vector<2048x64xbf16>, vector<256x2048xf32> -> vector<256x2048xf32>
    %gt3A_1357 = arith.constant 0.000000e+00 : f32
    %gt3A_1358 = vector.broadcast %gt3A_1357 : f32 to vector<256x2048xf32>
    %gt3A_1359 = arith.cmpf ogt, %dot_general3A_1351, %gt3A_1358 : vector<256x2048xf32>
    %jit3A_1360 = arith.constant 0xFF800000 : f32
    %broadcast_in_dim3A_1361 = vector.broadcast %jit3A_1360 : f32 to vector<256x2048xf32>
    %select_n3A_1362 = arith.select %gt3A_1359, %dot_general3A_1356, %broadcast_in_dim3A_1361 : vector<256x2048xi1>, vector<256x2048xf32>
    %exp3A_1363 = math.exp %select_n3A_1362 : vector<256x2048xf32>
    %reduce_sum3A_1364 = arith.constant dense<0.000000e+00> : vector<256xf32>
    %reduce_sum3A_1365 = vector.multi_reduction <add>, %exp3A_1363, %reduce_sum3A_1364 [1] : vector<256x2048xf32> to vector<256xf32>
    %broadcast_in_dim3A_1366 = vector.shape_cast %reduce_sum3A_1365 : vector<256xf32> to vector<256x1xf32>
    %div3A_1367 = arith.constant 1.000000e+00 : f32
    %div3A_1368 = vector.broadcast %div3A_1367 : f32 to vector<256x1xf32>
    %div3A_1369 = arith.divf %div3A_1368, %broadcast_in_dim3A_1366 : vector<256x1xf32>
    %convert_element_type3A_1370 = arith.truncf %exp3A_1363 : vector<256x2048xf32> to vector<256x2048xbf16>
    %convert_element_type3A_1371 = arith.truncf %get3A_13 : vector<2048x64xf32> to vector<2048x64xbf16>
    %dot_general3A_1372 = arith.constant dense<0.000000e+00> : vector<256x64xf32>
    %dot_general3A_1373 = tpu.matmul %convert_element_type3A_1370, %convert_element_type3A_1371, %dot_general3A_1372 {dimension_numbers = #tpu.dot_dimension_numbers<[1], [0], [0], [1], [0, 0, 1, 1], [], []>, transpose_lhs_hint = false} : vector<256x2048xbf16>, vector<2048x64xbf16>, vector<256x64xf32> -> vector<256x64xf32>
    %mul3A_1374 = vector.broadcast %div3A_1369 : vector<256x1xf32> to vector<256x64xf32>
    %mul3A_1375 = arith.mulf %dot_general3A_1373, %mul3A_1374 : vector<256x64xf32>
    %swap3A_1376 = arith.constant 0 : index
    %swap3A_1377 = arith.constant 1280 : index
    %swap3A_1378 = arith.constant 0 : index
    %swap3A_1379 = vector.load %arg7[%swap3A_1376, %swap3A_1377, %swap3A_1378] : memref<1x2048x64xf32, #tpu.memory_space<vmem>>, vector<1x256x64xf32>
    %swap3A_1380 = vector.shape_cast %swap3A_1379 : vector<1x256x64xf32> to vector<256x64xf32>
    %swap3A_1381 = vector.shape_cast %mul3A_1375 : vector<256x64xf32> to vector<1x256x64xf32>
    tpu.vector_store %arg7[%swap3A_1376, %swap3A_1377, %swap3A_1378], %swap3A_1381 {strides = array<i32>} : memref<1x2048x64xf32, #tpu.memory_space<vmem>>, vector<1x256x64xf32>,
    %slice3A_1382 = vector.extract_strided_slice %convert_element_type3A_536 {offsets = [0, 1536], sizes = [128, 256], strides = [1, 1]} : vector<128x2048xf32> to vector<128x256xf32>
    %convert_element_type3A_1383 = arith.truncf %slice3A_1382 : vector<128x256xf32> to vector<128x256xbf16>
    %convert_element_type3A_1384 = arith.truncf %while3A#0 : vector<128x2048xf32> to vector<128x2048xbf16>
    %dot_general3A_1385 = arith.constant dense<0.000000e+00> : vector<256x2048xf32>
    %dot_general3A_1386 = tpu.matmul %convert_element_type3A_1383, %convert_element_type3A_1384, %dot_general3A_1385 {dimension_numbers = #tpu.dot_dimension_numbers<[0], [0], [1], [1], [0, 1, 1, 1], [], []>, transpose_lhs_hint = false} : vector<128x256xbf16>, vector<128x2048xbf16>, vector<256x2048xf32> -> vector<256x2048xf32>
    %slice3A_1387 = vector.extract_strided_slice %mul3A_1172 {offsets = [1536, 0], sizes = [256, 64], strides = [1, 1]} : vector<2048x64xf32> to vector<256x64xf32>
    %convert_element_type3A_1388 = arith.truncf %slice3A_1387 : vector<256x64xf32> to vector<256x64xbf16>
    %convert_element_type3A_1389 = arith.truncf %get3A_8 : vector<2048x64xf32> to vector<2048x64xbf16>
    %dot_general3A_1390 = arith.constant dense<0.000000e+00> : vector<256x2048xf32>
    %dot_general3A_1391 = tpu.matmul %convert_element_type3A_1388, %convert_element_type3A_1389, %dot_general3A_1390 {dimension_numbers = #tpu.dot_dimension_numbers<[1], [1], [0], [0], [0, 0, 1, 0], [], []>, transpose_lhs_hint = false} : vector<256x64xbf16>, vector<2048x64xbf16>, vector<256x2048xf32> -> vector<256x2048xf32>
    %gt3A_1392 = arith.constant 0.000000e+00 : f32
    %gt3A_1393 = vector.broadcast %gt3A_1392 : f32 to vector<256x2048xf32>
    %gt3A_1394 = arith.cmpf ogt, %dot_general3A_1386, %gt3A_1393 : vector<256x2048xf32>
    %jit3A_1395 = arith.constant 0xFF800000 : f32
    %broadcast_in_dim3A_1396 = vector.broadcast %jit3A_1395 : f32 to vector<256x2048xf32>
    %select_n3A_1397 = arith.select %gt3A_1394, %dot_general3A_1391, %broadcast_in_dim3A_1396 : vector<256x2048xi1>, vector<256x2048xf32>
    %exp3A_1398 = math.exp %select_n3A_1397 : vector<256x2048xf32>
    %reduce_sum3A_1399 = arith.constant dense<0.000000e+00> : vector<256xf32>
    %reduce_sum3A_1400 = vector.multi_reduction <add>, %exp3A_1398, %reduce_sum3A_1399 [1] : vector<256x2048xf32> to vector<256xf32>
    %broadcast_in_dim3A_1401 = vector.shape_cast %reduce_sum3A_1400 : vector<256xf32> to vector<256x1xf32>
    %div3A_1402 = arith.constant 1.000000e+00 : f32
    %div3A_1403 = vector.broadcast %div3A_1402 : f32 to vector<256x1xf32>
    %div3A_1404 = arith.divf %div3A_1403, %broadcast_in_dim3A_1401 : vector<256x1xf32>
    %convert_element_type3A_1405 = arith.truncf %exp3A_1398 : vector<256x2048xf32> to vector<256x2048xbf16>
    %convert_element_type3A_1406 = arith.truncf %get3A_13 : vector<2048x64xf32> to vector<2048x64xbf16>
    %dot_general3A_1407 = arith.constant dense<0.000000e+00> : vector<256x64xf32>
    %dot_general3A_1408 = tpu.matmul %convert_element_type3A_1405, %convert_element_type3A_1406, %dot_general3A_1407 {dimension_numbers = #tpu.dot_dimension_numbers<[1], [0], [0], [1], [0, 0, 1, 1], [], []>, transpose_lhs_hint = false} : vector<256x2048xbf16>, vector<2048x64xbf16>, vector<256x64xf32> -> vector<256x64xf32>
    %mul3A_1409 = vector.broadcast %div3A_1404 : vector<256x1xf32> to vector<256x64xf32>
    %mul3A_1410 = arith.mulf %dot_general3A_1408, %mul3A_1409 : vector<256x64xf32>
    %swap3A_1411 = arith.constant 0 : index
    %swap3A_1412 = arith.constant 1536 : index
    %swap3A_1413 = arith.constant 0 : index
    %swap3A_1414 = vector.load %arg7[%swap3A_1411, %swap3A_1412, %swap3A_1413] : memref<1x2048x64xf32, #tpu.memory_space<vmem>>, vector<1x256x64xf32>
    %swap3A_1415 = vector.shape_cast %swap3A_1414 : vector<1x256x64xf32> to vector<256x64xf32>
    %swap3A_1416 = vector.shape_cast %mul3A_1410 : vector<256x64xf32> to vector<1x256x64xf32>
    tpu.vector_store %arg7[%swap3A_1411, %swap3A_1412, %swap3A_1413], %swap3A_1416 {strides = array<i32>} : memref<1x2048x64xf32, #tpu.memory_space<vmem>>, vector<1x256x64xf32>,
    %slice3A_1417 = vector.extract_strided_slice %convert_element_type3A_536 {offsets = [0, 1792], sizes = [128, 256], strides = [1, 1]} : vector<128x2048xf32> to vector<128x256xf32>
    %convert_element_type3A_1418 = arith.truncf %slice3A_1417 : vector<128x256xf32> to vector<128x256xbf16>
    %convert_element_type3A_1419 = arith.truncf %while3A#0 : vector<128x2048xf32> to vector<128x2048xbf16>
    %dot_general3A_1420 = arith.constant dense<0.000000e+00> : vector<256x2048xf32>
    %dot_general3A_1421 = tpu.matmul %convert_element_type3A_1418, %convert_element_type3A_1419, %dot_general3A_1420 {dimension_numbers = #tpu.dot_dimension_numbers<[0], [0], [1], [1], [0, 1, 1, 1], [], []>, transpose_lhs_hint = false} : vector<128x256xbf16>, vector<128x2048xbf16>, vector<256x2048xf32> -> vector<256x2048xf32>
    %slice3A_1422 = vector.extract_strided_slice %mul3A_1172 {offsets = [1792, 0], sizes = [256, 64], strides = [1, 1]} : vector<2048x64xf32> to vector<256x64xf32>
    %convert_element_type3A_1423 = arith.truncf %slice3A_1422 : vector<256x64xf32> to vector<256x64xbf16>
    %convert_element_type3A_1424 = arith.truncf %get3A_8 : vector<2048x64xf32> to vector<2048x64xbf16>
    %dot_general3A_1425 = arith.constant dense<0.000000e+00> : vector<256x2048xf32>
    %dot_general3A_1426 = tpu.matmul %convert_element_type3A_1423, %convert_element_type3A_1424, %dot_general3A_1425 {dimension_numbers = #tpu.dot_dimension_numbers<[1], [1], [0], [0], [0, 0, 1, 0], [], []>, transpose_lhs_hint = false} : vector<256x64xbf16>, vector<2048x64xbf16>, vector<256x2048xf32> -> vector<256x2048xf32>
    %gt3A_1427 = arith.constant 0.000000e+00 : f32
    %gt3A_1428 = vector.broadcast %gt3A_1427 : f32 to vector<256x2048xf32>
    %gt3A_1429 = arith.cmpf ogt, %dot_general3A_1421, %gt3A_1428 : vector<256x2048xf32>
    %jit3A_1430 = arith.constant 0xFF800000 : f32
    %broadcast_in_dim3A_1431 = vector.broadcast %jit3A_1430 : f32 to vector<256x2048xf32>
    %select_n3A_1432 = arith.select %gt3A_1429, %dot_general3A_1426, %broadcast_in_dim3A_1431 : vector<256x2048xi1>, vector<256x2048xf32>
    %exp3A_1433 = math.exp %select_n3A_1432 : vector<256x2048xf32>
    %reduce_sum3A_1434 = arith.constant dense<0.000000e+00> : vector<256xf32>
    %reduce_sum3A_1435 = vector.multi_reduction <add>, %exp3A_1433, %reduce_sum3A_1434 [1] : vector<256x2048xf32> to vector<256xf32>
    %broadcast_in_dim3A_1436 = vector.shape_cast %reduce_sum3A_1435 : vector<256xf32> to vector<256x1xf32>
    %div3A_1437 = arith.constant 1.000000e+00 : f32
    %div3A_1438 = vector.broadcast %div3A_1437 : f32 to vector<256x1xf32>
    %div3A_1439 = arith.divf %div3A_1438, %broadcast_in_dim3A_1436 : vector<256x1xf32>
    %convert_element_type3A_1440 = arith.truncf %exp3A_1433 : vector<256x2048xf32> to vector<256x2048xbf16>
    %convert_element_type3A_1441 = arith.truncf %get3A_13 : vector<2048x64xf32> to vector<2048x64xbf16>
    %dot_general3A_1442 = arith.constant dense<0.000000e+00> : vector<256x64xf32>
    %dot_general3A_1443 = tpu.matmul %convert_element_type3A_1440, %convert_element_type3A_1441, %dot_general3A_1442 {dimension_numbers = #tpu.dot_dimension_numbers<[1], [0], [0], [1], [0, 0, 1, 1], [], []>, transpose_lhs_hint = false} : vector<256x2048xbf16>, vector<2048x64xbf16>, vector<256x64xf32> -> vector<256x64xf32>
    %mul3A_1444 = vector.broadcast %div3A_1439 : vector<256x1xf32> to vector<256x64xf32>
    %mul3A_1445 = arith.mulf %dot_general3A_1443, %mul3A_1444 : vector<256x64xf32>
    %swap3A_1446 = arith.constant 0 : index
    %swap3A_1447 = arith.constant 1792 : index
    %swap3A_1448 = arith.constant 0 : index
    %swap3A_1449 = vector.load %arg7[%swap3A_1446, %swap3A_1447, %swap3A_1448] : memref<1x2048x64xf32, #tpu.memory_space<vmem>>, vector<1x256x64xf32>
    %swap3A_1450 = vector.shape_cast %swap3A_1449 : vector<1x256x64xf32> to vector<256x64xf32>
    %swap3A_1451 = vector.shape_cast %mul3A_1445 : vector<256x64xf32> to vector<1x256x64xf32>
    tpu.vector_store %arg7[%swap3A_1446, %swap3A_1447, %swap3A_1448], %swap3A_1451 {strides = array<i32>} : memref<1x2048x64xf32, #tpu.memory_space<vmem>>, vector<1x256x64xf32>,
    return
  }
  func.func @transform_0(%arg0: i32) -> (i32, i32, i32) {
    %c0_i32 = arith.constant 0 : i32
    %c0_i32_0 = arith.constant 0 : i32
    %c0_i32_1 = arith.constant 0 : i32
    return %arg0, %c0_i32, %c0_i32_0 : i32, i32, i32
  }
  func.func @transform_1(%arg0: i32) -> (i32, i32, i32) {
    %c0_i32 = arith.constant 0 : i32
    %c0_i32_0 = arith.constant 0 : i32
    %c0_i32_1 = arith.constant 0 : i32
    return %arg0, %c0_i32, %c0_i32_0 : i32, i32, i32
  }
  func.func @transform_2(%arg0: i32) -> (i32, i32, i32) {
    %c0_i32 = arith.constant 0 : i32
    %c0_i32_0 = arith.constant 0 : i32
    %c0_i32_1 = arith.constant 0 : i32
    return %arg0, %c0_i32, %c0_i32_0 : i32, i32, i32
  }
  func.func @transform_3(%arg0: i32) -> (i32, i32) {
    %c0_i32 = arith.constant 0 : i32
    %c0_i32_0 = arith.constant 0 : i32
    %c0_i32_1 = arith.constant 0 : i32
    return %c0_i32, %c0_i32_0 : i32, i32
  }
  func.func @transform_4(%arg0: i32) -> (i32, i32) {
    %c0_i32 = arith.constant 0 : i32
    %c0_i32_0 = arith.constant 0 : i32
    %c0_i32_1 = arith.constant 0 : i32
    return %c0_i32, %c0_i32_0 : i32, i32
  }
  func.func @transform_5(%arg0: i32) -> (i32, i32) {
    %c0_i32 = arith.constant 0 : i32
    %c0_i32_0 = arith.constant 0 : i32
    %c0_i32_1 = arith.constant 0 : i32
    return %c0_i32, %c0_i32_0 : i32, i32
  }
  func.func @transform_6(%arg0: i32) -> (i32, i32, i32) {
    %c0_i32 = arith.constant 0 : i32
    %c0_i32_0 = arith.constant 0 : i32
    %c0_i32_1 = arith.constant 0 : i32
    return %arg0, %c0_i32, %c0_i32_0 : i32, i32, i32
  }
  func.func @transform_7(%arg0: i32) -> (i32, i32, i32) {
    %c0_i32 = arith.constant 0 : i32
    %c0_i32_0 = arith.constant 0 : i32
    %c0_i32_1 = arith.constant 0 : i32
    return %arg0, %c0_i32, %c0_i32_0 : i32, i32, i32
  }
  func.func @transform_8(%arg0: i32) -> (i32, i32, i32) {
    %c0_i32 = arith.constant 0 : i32
    %c0_i32_0 = arith.constant 0 : i32
    %c0_i32_1 = arith.constant 0 : i32
    return %arg0, %c0_i32, %c0_i32_0 : i32, i32, i32
  }
}

</mosaic_0001>

<sc_bundles>
// kernel: kernel.4.cloned.1.call-start
scs
__scs_entry_jumppad:
0x0: {  	(pc) =	sbr.rel $0x88, $3  }
0x1: {  	(tag) =	ssettag $0x0;
	lr =	simm.s32 $0x1  }
0x2: {  	[smem:$0x3F9D] =	sst lr;
	_ =	strace $0xD0000000  }
0x3: {  	_ = 	snop  }
0x4: {  	_ = 	snop  }
0x5: {  	_ = 	snop  }
0x6: {  	_ = 	snop  }
0x7: {  	_ = 	snop  }
__scs_overlays_trampoline_lowered:
0x8: {  	[smem:$0x3FAC] =	sst s0  }
0x9: {  	[smem:$0x3FAD] =	sst s1  }
0xa: {  	[smem:$0x3FAE] =	sst s2  }
0xb: {  	[smem:$0x3FAF] =	sst s3  }
0xc: {  	[smem:$0x3FB0] =	sst s4  }
0xd: {  	[smem:$0x3FB1] =	sst s5  }
0xe: {  	[smem:$0x3FB2] =	sst s6  }
0xf: {  	[smem:$0x3FB3] =	sst s7  }
0x10: {  	[smem:$0x3FB4] =	sst s8  }
0x11: {  	[smem:$0x3FB5] =	sst s9;
	s0 =	simm.s32 @!p0 $0x0  }
0x12: {  	s1 =	sld [smem:$0x3F9B];
	s0 =	simm.s32 @p0 $0x1  }
0x13: {  	[smem:$0x3FB6] =	sst s0;
	s0 =	simm.s32 @!p1 $0x0  }
0x14: {  	s2 =	sld [smem:$0x3F9A];
	s0 =	simm.s32 @p1 $0x1  }
0x15: {  	[smem:$0x3FB7] =	sst s0;
	s0 =	simm.s32 @!p2 $0x0  }
0x16: {  	s3 =	sld [smem:$0x3FDB];
	s0 =	simm.s32 @p2 $0x1  }
0x17: {  	s4 =	simm.s32 $0x1BF5;
	[smem:$0x3FB9] =	sst s0  }
0x18: {  	s0 =	sld [smem:$0x3F9C];
	_ =	swait.ge [sflag:s4], $0x0  }
0x19: {  	s7 =	sld [smem:$0x3F9D]  }
0x1a: {  	s8 =	sadd.s32 $0xFFFFE003, lr  }
0x1b: {  	s9 =	sadd.s32 $0xFFFFFEF7, lr;
	s5 =	simm.s32 $0xFFFFFFFF;
	p2 =	slt.u32 s8, $0xFFFFF086  }
0x1c: {  	p1 =	slt.u32 s9, $0xF7A;
	s5 =	simm.s32 @!p2 $0x0  }
0x1d: {  	s5 =	simm.s32 @p1 $0x1;
	p0 =	seq.s32 s7, s2  }
0x1e: {  	s7 =	smul.u32 @!p0 $0xF7A, s2;
	p2 =	seq.s32 @!p0 s5, $0x0  }
0x1f: {  	s9 =	smul.u32 $0xF7A, s1;
	s8 =	simm.s32 @!p0 $0x1BF5;
	p2 =	por !p2, p0  }
0x20: {  	[sflag:s8] =	ssyncset.s32 @!p0 $0xFFFFF086;
	s6 =	sadd.s32 @!p0 s3, s7;
	s7 =	simm.s32 @!p0 $0x108  }
0x21: {  	s3 =	sadd.s32 s3, s9;
	s6 =	sadd.s32 @!p0 $0x88, s6;
	s7 =	simm.s32 @p2 $0x1082  }
0x22: {  	[simem:s7], [sflag:s8] =	dma.local @!p0 [hbm:s6], $0xF7A  }
0x23: {  	s9 =	sor.u32 $0xD0000000, s2;
	s6 =	simm.s32 $0x108;
	_ =	swait.ge @!p0 [sflag:s8], $0x0  }
0x24: {  	s3 =	sadd.s32 $0x88, s3;
	s6 =	simm.s32 @!p1 $0x1082;
	[sflag:s4] =	ssyncset.s32 $0xFFFFF086  }
0x25: {  	[simem:s6], [sflag:s4] =	dma.local [hbm:s3], $0xF7A  }
0x26: {  	[smem:$0x3F9D] =	sst s1;
	(tag) =	ssettag s2;
	_ =	strace s9  }
0x27: {  	s1 =	sld [smem:$0x3FAD]  }
0x28: {  	s2 =	sld [smem:$0x3FAE]  }
0x29: {  	s4 =	sld [smem:$0x3FB0]  }
0x2a: {  	p0 =	seq.s32 s5, $0x0;
	s5 =	sld [smem:$0x3FB1]  }
0x2b: {  	s6 =	sld [smem:$0x3FB2]  }
0x2c: {  	s7 =	sld [smem:$0x3FB3]  }
0x2d: {  	s3 =	simm.s32 $0x108;
	s8 =	sld [smem:$0x3FB4]  }
0x2e: {  	s3 =	simm.s32 @!p0 $0x1082;
	s9 =	sld [smem:$0x3FB5]  }
0x2f: {  	lr =	sadd.s32 s0, s3;
	s0 =	sld [smem:$0x3FAC]  }
0x30: {  	s3 =	sld [smem:$0x3FAF]  }
0x31: {  	[smem:$0x3FB8] =	sst s10  }
0x32: {  	s10 =	sld [smem:$0x3FB6];
	_ =	sdelay $0x3  }
0x33: {  	p0 =	seq.s32 s10, $0x1;
	s10 =	sld [smem:$0x3FB8];
	_ =	sdelay $0x3  }
0x34: {  	[smem:$0x3FB8] =	sst s10  }
0x35: {  	s10 =	sld [smem:$0x3FB7];
	_ =	sdelay $0x3  }
0x36: {  	p1 =	seq.s32 s10, $0x1;
	s10 =	sld [smem:$0x3FB8];
	_ =	sdelay $0x3  }
0x37: {  	[smem:$0x3FB8] =	sst s10  }
0x38: {  	s10 =	sld [smem:$0x3FB9]  }
0x39: {  	_ = 	snop;
	(pc) =	sbr.ind lr, $3  }
0x3a: {  	_ = 	snop  }
0x3b: {  	_ = 	snop  }
0x3c: {  	p2 =	seq.s32 s10, $0x1;
	s10 =	sld [smem:$0x3FB8]  }
0x3d: {  	_ =	shalt  }
0x3e: {  	_ =	shalt  }
0x3f: {  	_ =	shalt  }
0x40: {  	_ =	shalt  }
0x41: {  	_ =	shalt  }
0x42: {  	_ =	shalt  }
0x43: {  	_ =	shalt  }
0x44: {  	_ =	shalt  }
0x45: {  	_ =	shalt  }
0x46: {  	_ =	shalt  }
0x47: {  	_ =	shalt  }
0x48: {  	_ =	shalt  }
0x49: {  	_ =	shalt  }
0x4a: {  	_ =	shalt  }
0x4b: {  	_ =	shalt  }
0x4c: {  	_ =	shalt  }
0x4d: {  	_ =	shalt  }
0x4e: {  	_ =	shalt  }
0x4f: {  	_ =	shalt  }
0x50: {  	_ =	shalt  }
0x51: {  	_ =	shalt  }
0x52: {  	_ =	shalt  }
0x53: {  	_ =	shalt  }
0x54: {  	_ =	shalt  }
0x55: {  	_ =	shalt  }
0x56: {  	_ =	shalt  }
0x57: {  	_ =	shalt  }
0x58: {  	_ =	shalt  }
0x59: {  	_ =	shalt  }
0x5a: {  	_ =	shalt  }
0x5b: {  	_ =	shalt  }
0x5c: {  	_ =	shalt  }
0x5d: {  	_ =	shalt  }
0x5e: {  	_ =	shalt  }
0x5f: {  	_ =	shalt  }
0x60: {  	_ =	shalt  }
0x61: {  	_ =	shalt  }
0x62: {  	_ =	shalt  }
0x63: {  	_ =	shalt  }
0x64: {  	_ =	shalt  }
0x65: {  	_ =	shalt  }
0x66: {  	_ =	shalt  }
0x67: {  	_ =	shalt  }
0x68: {  	_ =	shalt  }
0x69: {  	_ =	shalt  }
0x6a: {  	_ =	shalt  }
0x6b: {  	_ =	shalt  }
0x6c: {  	_ =	shalt  }
0x6d: {  	_ =	shalt  }
0x6e: {  	_ =	shalt  }
0x6f: {  	_ =	shalt  }
0x70: {  	_ =	shalt  }
0x71: {  	_ =	shalt  }
0x72: {  	_ =	shalt  }
0x73: {  	_ =	shalt  }
0x74: {  	_ =	shalt  }
0x75: {  	_ =	shalt  }
0x76: {  	_ =	shalt  }
0x77: {  	_ =	shalt  }
0x78: {  	_ =	shalt  }
0x79: {  	_ =	shalt  }
0x7a: {  	_ =	shalt  }
0x7b: {  	_ =	shalt  }
0x7c: {  	_ =	shalt  }
0x7d: {  	_ =	shalt  }
0x7e: {  	_ =	shalt  }
0x7f: {  	_ =	shalt  }
0x80: {  	_ =	shalt  }
0x81: {  	_ =	shalt  }
0x82: {  	_ =	shalt  }
0x83: {  	_ =	shalt  }
0x84: {  	_ =	shalt  }
0x85: {  	_ =	shalt  }
0x86: {  	_ =	shalt  }
0x87: {  	_ =	shalt  }
.Lfunc_end0:
.L_simem_size_0:
called_computation_lowered:
.L_overlay_start_0:
0x88: {  	s2 =	sld [smem:$0x3FD9]  }
0x89: {  	s3 =	sld [smem:$0x3FFE];
	_ =	sdelay $0x1  }
0x8a: {  	s1 =	srdreg.scid  }
0x8b: {  	s0 =	sand.u32 $0x1, s1  }
0x8c: {  	s17 =	sshll.u32 s0, $0xA;
	s2 =	sadd.s32 s3, s2  }
0x8d: {  	s2 =	sadd.s32 s2, s17  }
0x8e: {  	[smem:$0x3FC4] =	sst s2  }
0x8f: {  	_ = 	snop  }
0x90: {  	s2 =	sld [smem:$0x3FD0];
	(tm) =	ssettm $0x1  }
0x91: {  	s18 =	sld [smem:$0x3FFB];
	_ =	sdelay $0x3  }
0x92: {  	_ =	strace s18  }
0x93: {  	s3 =	sld [smem:$0x3FFC];
	_ =	sdelay $0x3  }
0x94: {  	_ =	strace s3  }
0x95: {  	s3 =	sld [smem:$0x3FFD];
	_ =	sdelay $0x3  }
0x96: {  	_ =	strace s3  }
0x97: {  	_ =	strace $0x8FFFFFFF  }
0x98: {  	s19 =	sld [smem:$0x3FDB];
	_ =	sdelay $0x1  }
0x99: {  	s4 =	simm.s32 $_scs_section_size  }
0x9a: {  	s5 =	simm.s32 $_size__tile_overlayer_lowered;
	s6 =	simm.s32 $_tile_overlayer_lowered  }
0x9b: {  	s22 =	simm.s32 $0x1BFF;
	s21 =	sshll.u32 s6, $0x1;
	s3 =	sadd.s32 s4, s19  }
0x9c: {  	s7 =	simm.s32 $0x0;
	s20 =	sshll.u32 s5, $0x1;
	s5 =	sadd.s32 s21, s3  }
0x9d: {  	[timem:s7], [sflag:s22] =	dma.local [hbm:s5], s20  }
0x9e: {  	_ =	swait.ge [sflag:s22], s20  }
0x9f: {  	s4 =	ssub.s32 $0x0, s20;
	[sflag:s22] =	ssyncset.done $0x0  }
0xa0: {  	[sflag:s22] =	ssyncadd.s32 s4;
	_ =	sdelay $0x1  }
0xa1: {  	s23 =	simm.s32 $0x1B8B  }
0xa2: {  	_ =	swait.ge [sflag:s23], $0x1  }
0xa3: {  	[sflag:s23] =	ssyncset.done $0x0  }
0xa4: {  	s25 =	simm.s32 $0x1B8E;
	s24 =	sld [smem:$0x3FFE];
	[sflag:s23] =	ssyncadd.s32 $0xFFFFFFFF  }
0xa5: {  	s26 =	simm.s32 $execute0_lowered;
	[smem:$0x3FD2] =	sst s25  }
0xa6: {  	s5 =	sshll.u32 s26, $0x1;
	_ =	strace $0x80000046;
	[dreg:$0x1] =	wrdreg $0xFFFFFFFF  }
0xa7: {  	s28 =	simm.s32 $_size_execute0_lowered;
	s3 =	sadd.s32 s3, s5;
	[dreg:$0x0] =	wrdreg $0x0  }
0xa8: {  	s5 =	sshll.u32 s28, $0x1;
	[dreg:$0x2] =	wrdreg s3  }
0xa9: {  	[dreg:$0x3] =	wrdreg s5  }
0xaa: {  	[dreg:$0x4] =	wrdreg $0xC0  }
0xab: {  	_ =	task [dreg:s7], $0x5FFFF  }
0xac: {  	[dreg:$0x1] =	wrdreg $0xFFFFFFFF  }
0xad: {  	[dreg:$0x0] =	wrdreg $0x60  }
0xae: {  	[dreg:$0x2] =	wrdreg s24  }
0xaf: {  	[dreg:$0x3] =	wrdreg s2  }
0xb0: {  	[dreg:$0x4] =	wrdreg $0x9  }
0xb1: {  	_ =	task.clear_ibuf [dreg:s7], $0x5FFFF;
	_ =	strace $0x90000046  }
0xb2: {  	s29 =	simm.s32 $0x9;
	_ =	strace $0x80000048  }
0xb3: {  	_ =	swait.ge [sflag:s29], $0x1  }
0xb4: {  	[sflag:s29] =	ssyncadd.s32 $0xFFFFFFFF  }
0xb5: {  	_ =	strace $0x90000048  }
0xb6: {  	_ =	sfence  }
0xb7: {  	s30 =	sld [smem:$0x0];
	_ =	sdelay $0x2  }
0xb8: {  	s31 =	sshll.u32 s1, $0xD;
	s1 =	sshrl.u32 s1, $0x2  }
0xb9: {  	s3 =	sand.u32 $0x4000, s31;
	s1 =	sadd.s32 s1, s30  }
0xba: {  	s0 =	sor.u32 s3, s0;
	s1 =	sshll.u32 s1, $0x11  }
0xbb: {  	s0 =	sor.u32 s1, s0  }
0xbc: {  	s0 =	sadd.s32 $0x8F2B, s0  }
0xbd: {  	[sflag:s0] =	ssyncadd.remote.s32 $0x1  }
0xbe: {  	_ =	sfence.sel $0xFFFF  }
0xbf: {  	[dreg:$0x0] =	wrdreg $0xFFFFFFFF;
	(pc) =	sbr.abs _section_cstart, $3  }
0xc0: {  	[dreg:$0x1] =	wrdreg $0xFFFFFFFF  }
0xc1: {  	_ =	task.clear_ibuf [dreg:s7], $0x2FFFF;
	_ =	strace $0x9FFFFFFF  }
0xc2: {  	(tm) =	ssettm $0x7FFFFFFF  }
0xc3: {  	_ =	shalt  }
tec
execute0_lowered:
.L_overlay_start_1:
0x0: {  	(tag) =	ssettag $0x1  }
0x1: {  	s4 =	rddreg [dreg:$0x0];
	s1 =	srdreg.scid  }
0x2: {  	s0 =	stileid.u32;
	s2 =	rddreg [dreg:$0x1];
	s3 =	simm.s32 $0x0  }
0x3: {  	s14 =	simm.s32 $0xC180;
	s5 =	sand.u32 $0x1, s1;
	s6 =	sshll.u32 s0, $0x1  }
0x4: {  	s15 =	simm.s32 $0x0;
	s1 =	rddreg [dreg:$0x2];
	s6 =	sor.u32 s5, s6  }
0x5: {  	[smem:$0x7FF] =	sst s3;
	s9 =	sadd.s32 $0x1A00, s4;
	s7 =	smul.u32 $0x60, s6  }
0x6: {  	s11 =	sadd.s32 $0x61A00, s4;
	s5 =	ssub.s32 $0x2, s5;
	s8 =	smul.u32 $0x3000, s6  }
0x7: {  	s12 =	sadd.s32 $0x62600, s4;
	s10 =	sshrl.u32 s5, $0x1;
	s6 =	smul.u32 $0x300, s6  }
0x8: {  	_ =	strace $0x80000047;
	s10 =	ssub.s32 s5, s10;
	s4 =	sadd.s32 s11, s7  }
0x9: {  	s5 =	sadd.s32 s9, s8;
	s30 =	sadd.s32 $0x180, s6;
	s6 =	sadd.s32 s12, s8  }
0xa: {  	s10 =	smax.u32 s10, $0x1;
	s31 =	sshrl.u32 s30, $0x3;
	s13 =	sshll.u32 s30, $0x4  }
0xb: {  	s7 =	sadd.s32 s11, s31;
	s8 =	sadd.s32 s9, s13;
	s9 =	sadd.s32 s12, s13  }
0xc: {  	s11 =	simm.s32 $0x2;
	s12 =	simm.s32 $0x180;
	s13 =	simm.s32 $0x1  }
.LBB2_1:
0xd: {  	[tilespmem:s3], [sflag:$0x2] =	stream.linear.gather [hbm4b:s4+s3], $0x180, $0x38;
	[tilespmem:$0x18180] =	vst v63  }
0xe: {  	_ =	swait.ge [sflag:s11], $0x180  }
0xf: {  	[sflag:s11] =	ssyncset.done $0x0  }
0x10: {  	[sflag:s11] =	ssyncadd.s32 $0xFFFFFE80  }
0x11: {  	[tilespmem:s12], [sflag:$0x1] =	stream.indirect.gather [hbm4b:s2+s12], $0x80, s3, s12, $0xb8;
	[tilespmem:$0x18180] =	vst v63  }
0x12: {  	_ =	swait.ge [sflag:s13], $0xC000  }
0x13: {  	[sflag:s13] =	ssyncset.done $0x0  }
0x14: {  	[sflag:s13] =	ssyncadd.s32 $0xFFFF4000  }
0x15: {  	[tilespmem:s14], [sflag:$0x2] =	stream.linear.gather [hbm4b:s5+s3], $0xC000, $0x38;
	[tilespmem:$0x18180] =	vst v63  }
0x16: {  	_ =	swait.ge [sflag:s11], $0xC000  }
0x17: {  	[sflag:s11] =	ssyncset.done $0x0  }
0x18: {  	s16 =	simm.s32 $0x0;
	[sflag:s11] =	ssyncadd.s32 $0xFFFF4000  }
0x19: {  	v1 =	vld [tilespmem:s16+$0x180]  }
0x1a: {  	v0 =	vld [tilespmem:s16+$0x1C0]  }
0x1b: {  	v2 =	vld [tilespmem:s16+$0xC180]  }
0x1c: {  	v4 =	vld [tilespmem:s16+$0xC190]  }
0x1d: {  	v3 =	vld [tilespmem:s16+$0x190]  }
0x1e: {  	v5 =	vld [tilespmem:s16+$0xC1A0]  }
0x1f: {  	v7 =	vld [tilespmem:s16+$0xC1B0];
	v6 =	vsub.f32 $1.000000000e+00, v0  }
0x20: {  	v8 =	vld [tilespmem:s16+$0x1A0]  }
0x21: {  	v9 =	vld [tilespmem:s16+$0x1B0];
	v2 =	vmul.f32 v2, v6;
	v4 =	vmul.f32 v4, v6  }
0x22: {  	s17 =	simm.s32 $0x80  }
0x23: {  	v0 =	vld [tilespmem:s17+$0x180];
	v10 =	vadd.f32 v2, v1;
	v11 =	vadd.f32 v4, v3;
	v4 =	vmul.f32 v5, v6  }
0x24: {  	v2 =	vld [tilespmem:s17+$0x1C0];
	v5 =	vmul.f32 v7, v6  }
0x25: {  	v1 =	vld [tilespmem:s17+$0x190];
	[tilespmem:s16+$0xC180] =	vst v10;
	v4 =	vadd.f32 v4, v8  }
0x26: {  	s18 =	simm.s32 $0x400;
	v5 =	vadd.f32 v5, v9;
	v3 =	vld [tilespmem:s17+$0xC180];
	[tilespmem:s16+$0xC190] =	vst v11  }
.LBB2_2:
0x27: {  	p0 =	sne.s32 s18, $0x2FE00;
	v6 =	vld [tilespmem:s17+$0xC190];
	[tilespmem:s16+$0xC1A0] =	vst v4  }
0x28: {  	v4 =	vld [tilespmem:s17+$0xC1A0];
	[tilespmem:s16+$0xC1B0] =	vst v5;
	s16 =	smov.u32 s17  }
0x29: {  	v5 =	vsub.f32 $1.000000000e+00, v2;
	v7 =	vld [tilespmem:s16+$0xC1B0]  }
0x2a: {  	v8 =	vld [tilespmem:s16+$0x1A0]  }
0x2b: {  	v2 =	vmul.f32 v3, v5;
	v9 =	vld [tilespmem:s16+$0x1B0]  }
.Ltmp0:
0x2c: {  	s17 =	sshra.s32 s18, $0x2;
	v3 =	vmul.f32 v6, v5;
	(pc) =	sbr.rel @p0 .LBB2_2-.Ltmp0, $4  }
0x2d: {  	v6 =	vadd.f32 v2, v0;
	v0 =	vld [tilespmem:s17+$0x180];
	v4 =	vmul.f32 v4, v5  }
0x2e: {  	v2 =	vld [tilespmem:s17+$0x1C0];
	v10 =	vadd.f32 v3, v1;
	v5 =	vmul.f32 v7, v5  }
0x2f: {  	v1 =	vld [tilespmem:s17+$0x190];
	[tilespmem:s16+$0xC180] =	vst v6;
	v4 =	vadd.f32 v4, v8  }
0x30: {  	s18 =	sadd.s32 $0x200, s18;
	v3 =	vld [tilespmem:s17+$0xC180];
	[tilespmem:s16+$0xC190] =	vst v10;
	v5 =	vadd.f32 v5, v9  }
0x31: {  	v6 =	vld [tilespmem:s17+$0xC190];
	[tilespmem:s16+$0xC1A0] =	vst v4  }
0x32: {  	v4 =	vld [tilespmem:s17+$0xC1A0];
	[tilespmem:s16+$0xC1B0] =	vst v5  }
0x33: {  	v2 =	vsub.f32 $1.000000000e+00, v2;
	v5 =	vld [tilespmem:s17+$0xC1B0]  }
0x34: {  	v7 =	vld [tilespmem:s17+$0x1A0]  }
0x35: {  	v8 =	vld [tilespmem:s17+$0x1B0];
	v3 =	vmul.f32 v3, v2  }
0x36: {  	v6 =	vmul.f32 v6, v2  }
0x37: {  	v0 =	vadd.f32 v3, v0;
	v3 =	vmul.f32 v4, v2  }
0x38: {  	v1 =	vadd.f32 v6, v1;
	v2 =	vmul.f32 v5, v2  }
0x39: {  	[tilespmem:s17+$0xC180] =	vst v0;
	v0 =	vadd.f32 v3, v7  }
0x3a: {  	[tilespmem:s17+$0xC190] =	vst v1;
	v1 =	vadd.f32 v2, v8  }
0x3b: {  	[tilespmem:s17+$0xC1A0] =	vst v0  }
0x3c: {  	s31 =	simm.s32 $0x0;
	[tilespmem:s17+$0xC1B0] =	vst v1  }
0x3d: {  	[hbm4b:s6+s31] =	stream.linear.scatter [tilespmem:s14], [sflag:$0x2], $0xC000, $0x38;
	[tilespmem:$0x18180] =	vst v63  }
0x3e: {  	_ =	swait.ge [sflag:s11], $0xC000  }
0x3f: {  	[sflag:s11] =	ssyncset.done $0x0  }
0x40: {  	[sflag:s11] =	ssyncadd.s32 $0xFFFF4000  }
0x41: {  	[tilespmem:s31], [sflag:$0x2] =	stream.linear.gather [hbm4b:s7+s31], $0x180, $0x38;
	[tilespmem:$0x18180] =	vst v63  }
0x42: {  	_ =	swait.ge [sflag:s11], $0x180  }
0x43: {  	[sflag:s11] =	ssyncset.done $0x0  }
0x44: {  	[sflag:s11] =	ssyncadd.s32 $0xFFFFFE80  }
0x45: {  	[tilespmem:s12], [sflag:$0x1] =	stream.indirect.gather [hbm4b:s2+s12], $0x80, s31, s12, $0xb8;
	[tilespmem:$0x18180] =	vst v63  }
0x46: {  	_ =	swait.ge [sflag:s13], $0xC000  }
0x47: {  	[sflag:s13] =	ssyncset.done $0x0  }
0x48: {  	[sflag:s13] =	ssyncadd.s32 $0xFFFF4000  }
0x49: {  	[tilespmem:s14], [sflag:$0x2] =	stream.linear.gather [hbm4b:s8+s31], $0xC000, $0x38;
	[tilespmem:$0x18180] =	vst v63  }
0x4a: {  	_ =	swait.ge [sflag:s11], $0xC000  }
0x4b: {  	[sflag:s11] =	ssyncset.done $0x0  }
0x4c: {  	s16 =	simm.s32 $0x0;
	[sflag:s11] =	ssyncadd.s32 $0xFFFF4000  }
0x4d: {  	v1 =	vld [tilespmem:s16+$0x180]  }
0x4e: {  	v0 =	vld [tilespmem:s16+$0x1C0]  }
0x4f: {  	v2 =	vld [tilespmem:s16+$0xC180]  }
0x50: {  	v4 =	vld [tilespmem:s16+$0xC190]  }
0x51: {  	v3 =	vld [tilespmem:s16+$0x190]  }
0x52: {  	v5 =	vld [tilespmem:s16+$0xC1A0]  }
0x53: {  	v7 =	vld [tilespmem:s16+$0xC1B0];
	v6 =	vsub.f32 $1.000000000e+00, v0  }
0x54: {  	v63 =	vld [tilespmem:s16+$0x1A0]  }
0x55: {  	v9 =	vld [tilespmem:s16+$0x1B0];
	v2 =	vmul.f32 v2, v6;
	v4 =	vmul.f32 v4, v6  }
0x56: {  	s17 =	simm.s32 $0x80  }
0x57: {  	v0 =	vld [tilespmem:s17+$0x180];
	v10 =	vadd.f32 v2, v1;
	v11 =	vadd.f32 v4, v3;
	v4 =	vmul.f32 v5, v6  }
0x58: {  	v2 =	vld [tilespmem:s17+$0x1C0];
	v5 =	vmul.f32 v7, v6  }
0x59: {  	v1 =	vld [tilespmem:s17+$0x190];
	[tilespmem:s16+$0xC180] =	vst v10;
	v4 =	vadd.f32 v4, v63  }
0x5a: {  	s18 =	simm.s32 $0x400;
	v5 =	vadd.f32 v5, v9;
	v3 =	vld [tilespmem:s17+$0xC180];
	[tilespmem:s16+$0xC190] =	vst v11  }
.LBB2_4:
0x5b: {  	p0 =	sne.s32 s18, $0x2FE00;
	v6 =	vld [tilespmem:s17+$0xC190];
	[tilespmem:s16+$0xC1A0] =	vst v4  }
0x5c: {  	v4 =	vld [tilespmem:s17+$0xC1A0];
	[tilespmem:s16+$0xC1B0] =	vst v5;
	s16 =	smov.u32 s17  }
0x5d: {  	v5 =	vsub.f32 $1.000000000e+00, v2;
	v7 =	vld [tilespmem:s16+$0xC1B0]  }
0x5e: {  	v8 =	vld [tilespmem:s16+$0x1A0]  }
0x5f: {  	v2 =	vmul.f32 v3, v5;
	v9 =	vld [tilespmem:s16+$0x1B0]  }
.Ltmp1:
0x60: {  	s17 =	sshra.s32 s18, $0x2;
	v3 =	vmul.f32 v6, v5;
	(pc) =	sbr.rel @p0 .LBB2_4-.Ltmp1, $4  }
0x61: {  	v6 =	vadd.f32 v2, v0;
	v0 =	vld [tilespmem:s17+$0x180];
	v4 =	vmul.f32 v4, v5  }
0x62: {  	v2 =	vld [tilespmem:s17+$0x1C0];
	v10 =	vadd.f32 v3, v1;
	v5 =	vmul.f32 v7, v5  }
0x63: {  	v1 =	vld [tilespmem:s17+$0x190];
	[tilespmem:s16+$0xC180] =	vst v6;
	v4 =	vadd.f32 v4, v8  }
0x64: {  	s18 =	sadd.s32 $0x200, s18;
	v3 =	vld [tilespmem:s17+$0xC180];
	[tilespmem:s16+$0xC190] =	vst v10;
	v5 =	vadd.f32 v5, v9  }
0x65: {  	v6 =	vld [tilespmem:s17+$0xC190];
	[tilespmem:s16+$0xC1A0] =	vst v4  }
0x66: {  	v4 =	vld [tilespmem:s17+$0xC1A0];
	[tilespmem:s16+$0xC1B0] =	vst v5  }
0x67: {  	v2 =	vsub.f32 $1.000000000e+00, v2;
	v5 =	vld [tilespmem:s17+$0xC1B0]  }
0x68: {  	v7 =	vld [tilespmem:s17+$0x1A0]  }
0x69: {  	v8 =	vld [tilespmem:s17+$0x1B0];
	v3 =	vmul.f32 v3, v2  }
0x6a: {  	v6 =	vmul.f32 v6, v2  }
0x6b: {  	v0 =	vadd.f32 v3, v0;
	v61 =	vmul.f32 v4, v2  }
0x6c: {  	v1 =	vadd.f32 v6, v1;
	v2 =	vmul.f32 v5, v2  }
0x6d: {  	[tilespmem:s17+$0xC180] =	vst v0;
	v62 =	vadd.f32 v61, v7  }
0x6e: {  	s15 =	sadd.s32 $0x1, s15;
	[tilespmem:s17+$0xC190] =	vst v1;
	v63 =	vadd.f32 v2, v8  }
0x6f: {  	p0 =	sne.s32 s15, s10;
	[tilespmem:s17+$0xC1A0] =	vst v62  }
.Ltmp2:
0x70: {  	[tilespmem:s17+$0xC1B0] =	vst v63;
	(pc) =	sbr.rel @p0 .LBB2_1-.Ltmp2, $4  }
0x71: {  	[hbm4b:s9+s3] =	stream.linear.scatter [tilespmem:s14], [sflag:$0x2], $0xC000, $0x38;
	[tilespmem:$0x18180] =	vst v63  }
0x72: {  	_ =	swait.ge [sflag:s11], $0xC000  }
0x73: {  	[sflag:s11] =	ssyncset.done $0x0  }
0x74: {  	[sflag:s11] =	ssyncadd.s32 $0xFFFF4000  }
0x75: {  	_ =	sfence.sel $0x180000  }
0x76: {  	[bflag:$0x0] =	sbarrier.arrive $0xFFFF  }
0x77: {  	p0 =	sne.s32 s0, $0x0;
	_ =	strace $0x90000047  }
0x78: {  	s0 =	sadd.s32 @!p0 $0x100000, s1;
	[bflag:$0x2] =	sbarrier.arrive $0xFFFF  }
0x79: {  	[sflag:s0] =	ssyncadd.tile.s32 @!p0 $0x1;
	_ =	shalt  }
.Lfunc_end2:
_tile_overlayer_lowered:
.L_overlay_start_2:
0x7a: {  	(tag) =	ssettag $0x2  }
0x7b: {  	s0 =	rddreg [dreg:$0x0];
	s2 =	stileid.u32  }
0x7c: {  	s1 =	rddreg [dreg:$0x1];
	p0 =	sne.s32 s2, $0x0  }
0x7d: {  	s3 =	rddreg [dreg:$0x2];
	[bflag:$0x3] =	sbarrier.arrive $0xFFFF;
	s2 =	simm.s32 @!p0 $0x1C02  }
0x7e: {  	[timem:s3], [sflag:s2] =	dma.local @!p0 [hbm:s0], s1  }
0x7f: {  	s0 =	simm.s32 @!p0 $0x2  }
0x80: {  	_ =	swait.ge @!p0 [sflag:s0], s1  }
0x81: {  	s1 =	ssub.s32 @!p0 $0x0, s1;
	[sflag:s0] =	ssyncset.done @!p0 $0x0  }
0x82: {  	[sflag:s0] =	ssyncadd.s32 @!p0 s1  }
0x83: {  	[bflag:$0x3] =	sbarrier.arrive $0xFFFF  }
0x84: {  	_ =	shalt  }

</sc_bundles>
